<compile_context>
chip_gen: v7x
topology: tpu7x:2x2x1
jax: 0.10.2.dev20260603
libtpu: 0.0.44.dev20260713+nightly
codegen_flags: <defaults>
</compile_context>

<pallas_src>
import functools

import jax
import jax.numpy as jnp
from jax import lax
from jax.experimental import pallas as pl
from jax.experimental.pallas import tpu as pltpu
from jax.experimental.pallas import tpu_sc as plsc

F = 26
V = 100000
E = 16
NUMERIC = 13
B = 16384
H1, H2, H3 = 256, 128, 3
EPS = 1e-5

NC = 2
NS = 16
NW = NC * NS

TASKS = F * E
TPW = TASKS // NW
NPASS = 4
QV = 25088
TAIL = V - 74880 - QV
PASSES = (
    (0, 0, 0, QV, QV),
    (QV, QV, QV, 2 * QV, QV),
    (2 * QV, 0, 2 * QV, 3 * QV, QV),
    (74880, QV, 3 * QV, V, QV + TAIL),
)


def _sc_gather_body(tab_hbm, tail_hbm, idx_hbm, out_hbm, row_v, idx_v, out_v,
                    sem0, sem1, tsem, isem, osem0, osem1):
    c = lax.axis_index("c")
    s = lax.axis_index("s")
    wid = s * NC + c
    tid0 = wid * TPW

    def rowcp(t, q):
        tid = tid0 + t
        src, slot, _, _, _ = PASSES[q]
        return pltpu.make_async_copy(
            tab_hbm.at[tid // E, tid % E, pl.ds(src, QV)],
            row_v.at[pl.ds(slot, QV)],
            sem0 if q % 2 == 0 else sem1,
        )

    def tailcp(t):
        tid = tid0 + t
        return pltpu.make_async_copy(
            tail_hbm.at[tid // E, tid % E],
            row_v.at[pl.ds(2 * QV, 128)],
            tsem,
        )

    def idxcp(t):
        tid = tid0 + t
        return pltpu.make_async_copy(
            idx_hbm.at[tid // E],
            idx_v.at[pl.ds(lax.rem(t, 2) * B, B)],
            isem,
        )

    def outcp(t, sem_):
        return pltpu.make_async_copy(
            out_v.at[pl.ds(lax.rem(t, 2) * B, B)], out_hbm.at[tid0 + t], sem_
        )

    rowcp(0, 0).start()
    idxcp(0).start()

    def task(t, carry):
        ob = lax.rem(t, 2)
        obase = ob * B
        idxcp(t).wait()

        @pl.when(t + 1 < TPW)
        def _():
            idxcp(t + 1).start()

        @pl.when((t >= 2) & (ob == 0))
        def _():
            outcp(t, osem0).wait()

        @pl.when((t >= 2) & (ob == 1))
        def _():
            outcp(t, osem1).wait()

        for q in range(NPASS):
            if q + 1 < NPASS:
                rowcp(t, q + 1).start()
                if q + 1 == NPASS - 1:
                    tailcp(t).start()
            else:
                @pl.when(t + 1 < TPW)
                def _():
                    rowcp(t + 1, 0).start()

            rowcp(t, q).wait()
            if q == NPASS - 1:
                tailcp(t).wait()

            lo, slot, mlo, mhi, ln = PASSES[q]

            @plsc.parallel_loop(0, B // 16, 1, unroll=8)
            def g16(k):
                i = obase + k * 16
                idx16 = idx_v[pl.ds(i, 16)]
                loc = jnp.clip(idx16 - lo, 0, ln - 1) + slot
                v = plsc.load_gather(row_v, [loc])
                m = (idx16 >= mlo) & (idx16 < mhi)
                pos = i + lax.iota(jnp.int32, 16)
                plsc.store_scatter(out_v, [pos], v, mask=m)

        @pl.when(ob == 0)
        def _():
            outcp(t, osem0).start()

        @pl.when(ob == 1)
        def _():
            outcp(t, osem1).start()

        return carry

    lax.fori_loop(0, TPW, task, 0)
    outcp(0, osem0).wait()
    outcp(0, osem1).wait()


@functools.cache
def _sc_gather():
    return functools.partial(
        pl.kernel,
        out_type=jax.ShapeDtypeStruct((TASKS, B), jnp.float32),
        mesh=plsc.VectorSubcoreMesh(core_axis_name="c", subcore_axis_name="s"),
        scratch_types=[
            pltpu.VMEM((2 * QV + 128,), jnp.float32),
            pltpu.VMEM((2 * B,), jnp.int32),
            pltpu.VMEM((2 * B,), jnp.float32),
            pltpu.SemaphoreType.DMA,
            pltpu.SemaphoreType.DMA,
            pltpu.SemaphoreType.DMA,
            pltpu.SemaphoreType.DMA,
            pltpu.SemaphoreType.DMA,
            pltpu.SemaphoreType.DMA,
        ],
        compiler_params=pltpu.CompilerParams(
            use_tc_tiling_on_sc=True, needs_layout_passes=False
        ),
    )(_sc_gather_body)


BT = 4096


def _mlp_body(xn_ref, embt_ref, w1n_ref, w1e_ref, b1_ref, g1_ref, be1_ref,
              w2_ref, b2_ref, g2_ref, be2_ref, w3_ref, b3_ref, out_ref):
    s = 1.0 / jnp.sqrt(1.0 + EPS)
    h = lax.dot_general(
        xn_ref[...], w1n_ref[...], (((0,), (0,)), ((), ())),
        preferred_element_type=jnp.float32,
    )
    h = h + lax.dot_general(
        embt_ref[...], w1e_ref[...], (((0,), (0,)), ((), ())),
        preferred_element_type=jnp.float32,
    )
    h = (h + b1_ref[...]) * (g1_ref[...] * s) + be1_ref[...]
    h = jnp.maximum(h, 0.0)
    h = jnp.dot(h, w2_ref[...], preferred_element_type=jnp.float32)
    h = (h + b2_ref[...]) * (g2_ref[...] * s) + be2_ref[...]
    h = jnp.maximum(h, 0.0)
    out_ref[...] = (
        lax.dot_general(w3_ref[...], h, (((0,), (1,)), ((), ())),
                        preferred_element_type=jnp.float32)
        + b3_ref[...]
    )


def _mlp(xn, embt, w1n, w1e, b1, g1, be1, w2, b2, g2, be2, w3, b3):
    full = lambda shape: pl.BlockSpec(shape, lambda i: (0,) * len(shape))
    return pl.pallas_call(
        _mlp_body,
        grid=(B // BT,),
        in_specs=[
            pl.BlockSpec((NUMERIC, BT), lambda i: (0, i)),
            pl.BlockSpec((TASKS, BT), lambda i: (0, i)),
            full((NUMERIC, H1)),
            full((TASKS, H1)),
            full((1, H1)),
            full((1, H1)),
            full((1, H1)),
            full((H1, H2)),
            full((1, H2)),
            full((1, H2)),
            full((1, H2)),
            full((H2, H3)),
            full((H3, 1)),
        ],
        out_specs=pl.BlockSpec((H3, BT), lambda i: (0, i)),
        out_shape=jax.ShapeDtypeStruct((H3, B), jnp.float32),
    )(xn, embt, w1n, w1e, b1, g1, be1, w2, b2, g2, be2, w3, b3)


def kernel(x_numeric, x_cat, tables, W1, b1, g1, be1, W2, b2, g2, be2, W3, b3):
    tabT = jnp.transpose(tables, (0, 2, 1))
    tail = jnp.pad(tabT[:, :, V - TAIL:], ((0, 0), (0, 0), (0, 128 - TAIL)))
    idxT = jnp.clip(x_cat, 0, V - 1).T.astype(jnp.int32)
    embT = _sc_gather()(tabT, tail, idxT)
    outT = _mlp(
        x_numeric.T, embT, W1[:NUMERIC], W1[NUMERIC:],
        b1[None, :], g1[None, :], be1[None, :],
        W2, b2[None, :], g2[None, :], be2[None, :],
        W3, b3[:, None],
    )
    return outT.T

# --- scband reference (transcript-rebuilt; emitter-appended) ---
"""Pipeline reference for scband-burnout-mlpwith-embeddings-46832323396197 (READ-ONLY COPY).

The authoritative reference and input builder live on the scoring server;
editing this copy changes nothing except your own understanding.
"""

import jax, jax.numpy as jnp
import numpy as np

NUM_FIELDS = 26
VOCAB = 100000
EMB = 16
NUMERIC = 13
B = 16384
D_IN = NUMERIC + NUM_FIELDS * EMB


def setup_inputs(seed: int = 0) -> dict:
    key = jax.random.key(seed)
    ks = jax.random.split(key, 12)
    x_numeric = jax.random.normal(ks[0], (B, NUMERIC), dtype=jnp.float32)
    x_cat = jax.random.randint(ks[1], (B, NUM_FIELDS), 0, VOCAB, dtype=jnp.int32)
    tables = jax.random.normal(ks[2], (NUM_FIELDS, VOCAB, EMB), dtype=jnp.float32) * 0.02
    W1 = jax.random.normal(ks[3], (D_IN, 256), dtype=jnp.float32) * 0.02
    b1 = jnp.zeros((256,), dtype=jnp.float32)
    g1 = jnp.ones((256,), dtype=jnp.float32)
    be1 = jnp.zeros((256,), dtype=jnp.float32)
    W2 = jax.random.normal(ks[4], (256, 128), dtype=jnp.float32) * 0.02
    b2 = jnp.zeros((128,), dtype=jnp.float32)
    g2 = jnp.ones((128,), dtype=jnp.float32)
    be2 = jnp.zeros((128,), dtype=jnp.float32)
    W3 = jax.random.normal(ks[5], (128, 3), dtype=jnp.float32) * 0.02
    b3 = jnp.zeros((3,), dtype=jnp.float32)
    return {"x_numeric": x_numeric, "x_cat": x_cat, "tables": tables,
            "W1": W1, "b1": b1, "g1": g1, "be1": be1,
            "W2": W2, "b2": b2, "g2": g2, "be2": be2,
            "W3": W3, "b3": b3}


def reference(x_numeric, x_cat, tables, W1, b1, g1, be1, W2, b2, g2, be2, W3, b3):
    eps = 1e-5
    idx = jnp.clip(x_cat, 0, VOCAB - 1)
    # per-field embedding lookup: tables[f][idx[:, f]] -> [F, B, E]
    emb = jax.vmap(lambda t, i: jnp.take(t, i, axis=0), in_axes=(0, 1))(tables, idx)
    emb = jnp.transpose(emb, (1, 0, 2)).reshape(x_numeric.shape[0], NUM_FIELDS * EMB)
    x = jnp.concatenate([x_numeric, emb], axis=1)
    # Linear -> BatchNorm (eval mode: running_mean=0, running_var=1) -> ReLU (dropout off in eval)
    h = x @ W1 + b1
    h = (h / jnp.sqrt(1.0 + eps)) * g1 + be1
    h = jax.nn.relu(h)
    h = h @ W2 + b2
    h = (h / jnp.sqrt(1.0 + eps)) * g2 + be2
    h = jax.nn.relu(h)
    return h @ W3 + b3

if __name__ == "__main__":
    import jax
    _d = setup_inputs()
    print(jax.jit(kernel)(*tuple(_d.values())))

</pallas_src>

<mosaic_0001>
#map = affine_map<(d0, d1) -> (0, 0, 0)>
#map1 = affine_map<(d0, d1) -> (0, 0)>
module attributes {stable_mosaic.version = 14 : i64} {
  func.func @_sc_gather_body(%arg0: i32, %arg1: i32, %arg2: memref<26x16x100000xf32, #tpu.memory_space<hbm>>, %arg3: memref<26x16x128xf32, #tpu.memory_space<hbm>>, %arg4: memref<26x16384xi32, #tpu.memory_space<hbm>>, %arg5: memref<416x16384xf32, #tpu.memory_space<hbm>>, %arg6: memref<50304xf32, #tpu.memory_space<vmem>>, %arg7: memref<32768xi32, #tpu.memory_space<vmem>>, %arg8: memref<32768xf32, #tpu.memory_space<vmem>>, %arg9: memref<!tpu.dma_semaphore, #tpu.memory_space<semaphore_mem>>, %arg10: memref<!tpu.dma_semaphore, #tpu.memory_space<semaphore_mem>>, %arg11: memref<!tpu.dma_semaphore, #tpu.memory_space<semaphore_mem>>, %arg12: memref<!tpu.dma_semaphore, #tpu.memory_space<semaphore_mem>>, %arg13: memref<!tpu.dma_semaphore, #tpu.memory_space<semaphore_mem>>, %arg14: memref<!tpu.dma_semaphore, #tpu.memory_space<semaphore_mem>>) attributes {dimension_semantics = [#tpu.dimension_semantics<core_parallel>, #tpu.dimension_semantics<subcore_parallel>], iteration_bounds = array<i64: 2, 16>, scalar_prefetch = 0 : i64, scratch_operands = 9 : i64, tpu.core_type = #tpu.core_type<sc_vector_subcore>, window_params = [{transform_indices = #map}, {transform_indices = #map}, {transform_indices = #map1}, {transform_indices = #map1}]} {
    %mul3A = arith.constant 2 : i32
    %mul3A_0 = arith.muli %arg1, %mul3A : i32
    %add3A = arith.addi %mul3A_0, %arg0 : i32
    %mul3A_1 = arith.constant 13 : i32
    %mul3A_2 = arith.muli %add3A, %mul3A_1 : i32
    %add3A_3 = arith.constant 0 : i32
    %add3A_4 = arith.addi %mul3A_2, %add3A_3 : i32
    %jit3A = arith.constant 16 : i32
    %div3A = arith.divsi %add3A_4, %jit3A : i32
    %sign3A = arith.constant 0 : i32
    %sign3A_5 = arith.cmpi sgt, %add3A_4, %sign3A : i32
    %sign3A_6 = arith.extui %sign3A_5 : i1 to i32
    %sign3A_7 = arith.constant 0 : i32
    %sign3A_8 = arith.cmpi slt, %add3A_4, %sign3A_7 : i32
    %sign3A_9 = arith.extui %sign3A_8 : i1 to i32
    %sign3A_10 = arith.subi %sign3A_6, %sign3A_9 : i32
    %sign3A_11 = arith.constant 0 : i32
    %sign3A_12 = arith.cmpi sgt, %jit3A, %sign3A_11 : i32
    %sign3A_13 = arith.extui %sign3A_12 : i1 to i32
    %sign3A_14 = arith.constant 0 : i32
    %sign3A_15 = arith.cmpi slt, %jit3A, %sign3A_14 : i32
    %sign3A_16 = arith.extui %sign3A_15 : i1 to i32
    %sign3A_17 = arith.subi %sign3A_13, %sign3A_16 : i32
    %ne3A = arith.cmpi ne, %sign3A_10, %sign3A_17 : i32
    %rem3A = arith.remsi %add3A_4, %jit3A : i32
    %ne3A_18 = arith.constant 0 : i32
    %ne3A_19 = arith.cmpi ne, %rem3A, %ne3A_18 : i32
    %and3A = arith.andi %ne3A, %ne3A_19 : i1
    %sub3A = arith.constant 1 : i32
    %sub3A_20 = arith.subi %div3A, %sub3A : i32
    %select_n3A = arith.select %and3A, %sub3A_20, %div3A : i32
    %jit3A_21 = arith.constant 16 : i32
    %eq3A = arith.constant 0 : i32
    %eq3A_22 = arith.cmpi eq, %jit3A_21, %eq3A : i32
    %jit3A_23 = arith.constant 1 : i32
    %select_n3A_24 = arith.select %eq3A_22, %jit3A_23, %jit3A_21 : i32
    %rem3A_25 = arith.remsi %add3A_4, %select_n3A_24 : i32
    %ne3A_26 = arith.constant 0 : i32
    %ne3A_27 = arith.cmpi ne, %rem3A_25, %ne3A_26 : i32
    %lt3A = arith.constant 0 : i32
    %lt3A_28 = arith.cmpi slt, %rem3A_25, %lt3A : i32
    %lt3A_29 = arith.constant 0 : i32
    %lt3A_30 = arith.cmpi slt, %select_n3A_24, %lt3A_29 : i32
    %ne3A_31 = arith.xori %lt3A_28, %lt3A_30 : i1
    %and3A_32 = arith.andi %ne3A_31, %ne3A_27 : i1
    %add3A_33 = arith.addi %rem3A_25, %select_n3A_24 : i32
    %select_n3A_34 = arith.select %and3A_32, %add3A_33, %rem3A_25 : i32
    %dma_start3A = arith.constant 0 : i32
    %dma_start3A_35 = tpu.memref_slice %arg6[%dma_start3A] : memref<50304xf32, #tpu.memory_space<vmem>> -> memref<25088xf32, #tpu.memory_space<vmem>>
    %dma_start3A_36 = arith.constant 0 : i32
    %dma_start3A_37 = tpu.memref_slice %arg2[%select_n3A, %select_n3A_34, %dma_start3A_36] : memref<26x16x100000xf32, #tpu.memory_space<hbm>> -> memref<1x1x25088xf32, #tpu.memory_space<hbm>>
    %dma_start3A_38 = tpu.memref_squeeze %dma_start3A_37 : memref<1x1x25088xf32, #tpu.memory_space<hbm>> -> memref<25088xf32, #tpu.memory_space<hbm>>
    %dma_start3A_39 = arith.constant 0 : i32
    %dma_start3A_40 = tpu.memref_slice %arg6[%dma_start3A_39] : memref<50304xf32, #tpu.memory_space<vmem>> -> memref<25088xf32, #tpu.memory_space<vmem>>
    %dma_start3A_41 = arith.constant 0 : i32
    %dma_start3A_42 = tpu.memref_slice %arg2[%select_n3A, %select_n3A_34, %dma_start3A_41] : memref<26x16x100000xf32, #tpu.memory_space<hbm>> -> memref<1x1x25088xf32, #tpu.memory_space<hbm>>
    %dma_start3A_43 = tpu.memref_squeeze %dma_start3A_42 : memref<1x1x25088xf32, #tpu.memory_space<hbm>> -> memref<25088xf32, #tpu.memory_space<hbm>>
    tpu.enqueue_dma source(%dma_start3A_43 : memref<25088xf32, #tpu.memory_space<hbm>>) target(%dma_start3A_40 : memref<25088xf32, #tpu.memory_space<vmem>>) target_semaphore(%arg9 : memref<!tpu.dma_semaphore, #tpu.memory_space<semaphore_mem>>)
    %add3A_44 = arith.constant 0 : i32
    %add3A_45 = arith.addi %mul3A_2, %add3A_44 : i32
    %jit3A_46 = arith.constant 16 : i32
    %div3A_47 = arith.divsi %add3A_45, %jit3A_46 : i32
    %sign3A_48 = arith.constant 0 : i32
    %sign3A_49 = arith.cmpi sgt, %add3A_45, %sign3A_48 : i32
    %sign3A_50 = arith.extui %sign3A_49 : i1 to i32
    %sign3A_51 = arith.constant 0 : i32
    %sign3A_52 = arith.cmpi slt, %add3A_45, %sign3A_51 : i32
    %sign3A_53 = arith.extui %sign3A_52 : i1 to i32
    %sign3A_54 = arith.subi %sign3A_50, %sign3A_53 : i32
    %sign3A_55 = arith.constant 0 : i32
    %sign3A_56 = arith.cmpi sgt, %jit3A_46, %sign3A_55 : i32
    %sign3A_57 = arith.extui %sign3A_56 : i1 to i32
    %sign3A_58 = arith.constant 0 : i32
    %sign3A_59 = arith.cmpi slt, %jit3A_46, %sign3A_58 : i32
    %sign3A_60 = arith.extui %sign3A_59 : i1 to i32
    %sign3A_61 = arith.subi %sign3A_57, %sign3A_60 : i32
    %ne3A_62 = arith.cmpi ne, %sign3A_54, %sign3A_61 : i32
    %rem3A_63 = arith.remsi %add3A_45, %jit3A_46 : i32
    %ne3A_64 = arith.constant 0 : i32
    %ne3A_65 = arith.cmpi ne, %rem3A_63, %ne3A_64 : i32
    %and3A_66 = arith.andi %ne3A_62, %ne3A_65 : i1
    %sub3A_67 = arith.constant 1 : i32
    %sub3A_68 = arith.subi %div3A_47, %sub3A_67 : i32
    %select_n3A_69 = arith.select %and3A_66, %sub3A_68, %div3A_47 : i32
    %rem3A_70 = arith.constant 0 : i32
    %rem3A_71 = arith.constant 2 : i32
    %rem3A_72 = arith.remsi %rem3A_70, %rem3A_71 : i32
    %mul3A_73 = arith.constant 16384 : i32
    %mul3A_74 = arith.muli %rem3A_72, %mul3A_73 : i32
    %dma_start3A_75 = tpu.memref_slice %arg7[%mul3A_74] : memref<32768xi32, #tpu.memory_space<vmem>> -> memref<16384xi32, #tpu.memory_space<vmem>>
    %dma_start3A_76 = arith.constant 0 : i32
    %dma_start3A_77 = tpu.memref_slice %arg4[%select_n3A_69, %dma_start3A_76] : memref<26x16384xi32, #tpu.memory_space<hbm>> -> memref<1x16384xi32, #tpu.memory_space<hbm>>
    %dma_start3A_78 = tpu.memref_squeeze %dma_start3A_77 : memref<1x16384xi32, #tpu.memory_space<hbm>> -> memref<16384xi32, #tpu.memory_space<hbm>>
    %dma_start3A_79 = tpu.memref_slice %arg7[%mul3A_74] : memref<32768xi32, #tpu.memory_space<vmem>> -> memref<16384xi32, #tpu.memory_space<vmem>>
    %dma_start3A_80 = arith.constant 0 : i32
    %dma_start3A_81 = tpu.memref_slice %arg4[%select_n3A_69, %dma_start3A_80] : memref<26x16384xi32, #tpu.memory_space<hbm>> -> memref<1x16384xi32, #tpu.memory_space<hbm>>
    %dma_start3A_82 = tpu.memref_squeeze %dma_start3A_81 : memref<1x16384xi32, #tpu.memory_space<hbm>> -> memref<16384xi32, #tpu.memory_space<hbm>>
    tpu.enqueue_dma source(%dma_start3A_82 : memref<16384xi32, #tpu.memory_space<hbm>>) target(%dma_start3A_79 : memref<16384xi32, #tpu.memory_space<vmem>>) target_semaphore(%arg12 : memref<!tpu.dma_semaphore, #tpu.memory_space<semaphore_mem>>)
    %scan3A = arith.constant 0 : i32
    %scan3A_83 = arith.constant 0 : i32
    %scan3A_84 = arith.constant 13 : i32
    %scan3A_85 = arith.addi %scan3A_83, %scan3A_84 : i32
    %scan3A_86 = arith.constant 1 : i32
    scf.for %scan3A_117 = %scan3A_83 to %scan3A_85 step %scan3A_86  : i32 {
      %rem3A_118 = arith.constant 2 : i32
      %rem3A_119 = arith.remsi %scan3A_117, %rem3A_118 : i32
      %mul3A_120 = arith.constant 16384 : i32
      %mul3A_121 = arith.muli %rem3A_119, %mul3A_120 : i32
      %add3A_122 = arith.addi %mul3A_2, %scan3A_117 : i32
      %jit3A_123 = arith.constant 16 : i32
      %div3A_124 = arith.divsi %add3A_122, %jit3A_123 : i32
      %sign3A_125 = arith.constant 0 : i32
      %sign3A_126 = arith.cmpi sgt, %add3A_122, %sign3A_125 : i32
      %sign3A_127 = arith.extui %sign3A_126 : i1 to i32
      %sign3A_128 = arith.constant 0 : i32
      %sign3A_129 = arith.cmpi slt, %add3A_122, %sign3A_128 : i32
      %sign3A_130 = arith.extui %sign3A_129 : i1 to i32
      %sign3A_131 = arith.subi %sign3A_127, %sign3A_130 : i32
      %sign3A_132 = arith.constant 0 : i32
      %sign3A_133 = arith.cmpi sgt, %jit3A_123, %sign3A_132 : i32
      %sign3A_134 = arith.extui %sign3A_133 : i1 to i32
      %sign3A_135 = arith.constant 0 : i32
      %sign3A_136 = arith.cmpi slt, %jit3A_123, %sign3A_135 : i32
      %sign3A_137 = arith.extui %sign3A_136 : i1 to i32
      %sign3A_138 = arith.subi %sign3A_134, %sign3A_137 : i32
      %ne3A_139 = arith.cmpi ne, %sign3A_131, %sign3A_138 : i32
      %rem3A_140 = arith.remsi %add3A_122, %jit3A_123 : i32
      %ne3A_141 = arith.constant 0 : i32
      %ne3A_142 = arith.cmpi ne, %rem3A_140, %ne3A_141 : i32
      %and3A_143 = arith.andi %ne3A_139, %ne3A_142 : i1
      %sub3A_144 = arith.constant 1 : i32
      %sub3A_145 = arith.subi %div3A_124, %sub3A_144 : i32
      %select_n3A_146 = arith.select %and3A_143, %sub3A_145, %div3A_124 : i32
      %rem3A_147 = arith.constant 2 : i32
      %rem3A_148 = arith.remsi %scan3A_117, %rem3A_147 : i32
      %mul3A_149 = arith.constant 16384 : i32
      %mul3A_150 = arith.muli %rem3A_148, %mul3A_149 : i32
      %dma_wait3A_151 = tpu.memref_slice %arg7[%mul3A_150] : memref<32768xi32, #tpu.memory_space<vmem>> -> memref<16384xi32, #tpu.memory_space<vmem>>
      %dma_wait3A_152 = arith.constant 0 : i32
      %dma_wait3A_153 = tpu.memref_slice %arg4[%select_n3A_146, %dma_wait3A_152] : memref<26x16384xi32, #tpu.memory_space<hbm>> -> memref<1x16384xi32, #tpu.memory_space<hbm>>
      %dma_wait3A_154 = tpu.memref_squeeze %dma_wait3A_153 : memref<1x16384xi32, #tpu.memory_space<hbm>> -> memref<16384xi32, #tpu.memory_space<hbm>>
      %dma_wait3A_155 = tpu.memref_slice %arg7[%mul3A_150] : memref<32768xi32, #tpu.memory_space<vmem>> -> memref<16384xi32, #tpu.memory_space<vmem>>
      %dma_wait3A_156 = arith.constant 0 : i32
      %dma_wait3A_157 = tpu.memref_slice %arg4[%select_n3A_146, %dma_wait3A_156] : memref<26x16384xi32, #tpu.memory_space<hbm>> -> memref<1x16384xi32, #tpu.memory_space<hbm>>
      %dma_wait3A_158 = tpu.memref_squeeze %dma_wait3A_157 : memref<1x16384xi32, #tpu.memory_space<hbm>> -> memref<16384xi32, #tpu.memory_space<hbm>>
      tpu.wait_dma2 semaphore(%arg12 : memref<!tpu.dma_semaphore, #tpu.memory_space<semaphore_mem>>) src(%dma_wait3A_158 : memref<16384xi32, #tpu.memory_space<hbm>>) dst(%dma_wait3A_155 : memref<16384xi32, #tpu.memory_space<vmem>>)
      %add3A_159 = arith.constant 1 : i32
      %add3A_160 = arith.addi %scan3A_117, %add3A_159 : i32
      %lt3A_161 = arith.constant 13 : i32
      %lt3A_162 = arith.cmpi slt, %add3A_160, %lt3A_161 : i32
      %convert_element_type3A = arith.extui %lt3A_162 : i1 to i32
      %cond3A = arith.constant 0 : i32
      %cond3A_163 = arith.cmpi ne, %convert_element_type3A, %cond3A : i32
      scf.if %cond3A_163 {
        %add3A_666 = arith.constant 1 : i32
        %add3A_667 = arith.addi %scan3A_117, %add3A_666 : i32
        %add3A_668 = arith.addi %mul3A_2, %add3A_667 : i32
        %jit3A_669 = arith.constant 16 : i32
        %div3A_670 = arith.divsi %add3A_668, %jit3A_669 : i32
        %sign3A_671 = arith.constant 0 : i32
        %sign3A_672 = arith.cmpi sgt, %add3A_668, %sign3A_671 : i32
        %sign3A_673 = arith.extui %sign3A_672 : i1 to i32
        %sign3A_674 = arith.constant 0 : i32
        %sign3A_675 = arith.cmpi slt, %add3A_668, %sign3A_674 : i32
        %sign3A_676 = arith.extui %sign3A_675 : i1 to i32
        %sign3A_677 = arith.subi %sign3A_673, %sign3A_676 : i32
        %sign3A_678 = arith.constant 0 : i32
        %sign3A_679 = arith.cmpi sgt, %jit3A_669, %sign3A_678 : i32
        %sign3A_680 = arith.extui %sign3A_679 : i1 to i32
        %sign3A_681 = arith.constant 0 : i32
        %sign3A_682 = arith.cmpi slt, %jit3A_669, %sign3A_681 : i32
        %sign3A_683 = arith.extui %sign3A_682 : i1 to i32
        %sign3A_684 = arith.subi %sign3A_680, %sign3A_683 : i32
        %ne3A_685 = arith.cmpi ne, %sign3A_677, %sign3A_684 : i32
        %rem3A_686 = arith.remsi %add3A_668, %jit3A_669 : i32
        %ne3A_687 = arith.constant 0 : i32
        %ne3A_688 = arith.cmpi ne, %rem3A_686, %ne3A_687 : i32
        %and3A_689 = arith.andi %ne3A_685, %ne3A_688 : i1
        %sub3A_690 = arith.constant 1 : i32
        %sub3A_691 = arith.subi %div3A_670, %sub3A_690 : i32
        %select_n3A_692 = arith.select %and3A_689, %sub3A_691, %div3A_670 : i32
        %rem3A_693 = arith.constant 2 : i32
        %rem3A_694 = arith.remsi %add3A_667, %rem3A_693 : i32
        %mul3A_695 = arith.constant 16384 : i32
        %mul3A_696 = arith.muli %rem3A_694, %mul3A_695 : i32
        %dma_start3A_697 = tpu.memref_slice %arg7[%mul3A_696] : memref<32768xi32, #tpu.memory_space<vmem>> -> memref<16384xi32, #tpu.memory_space<vmem>>
        %dma_start3A_698 = arith.constant 0 : i32
        %dma_start3A_699 = tpu.memref_slice %arg4[%select_n3A_692, %dma_start3A_698] : memref<26x16384xi32, #tpu.memory_space<hbm>> -> memref<1x16384xi32, #tpu.memory_space<hbm>>
        %dma_start3A_700 = tpu.memref_squeeze %dma_start3A_699 : memref<1x16384xi32, #tpu.memory_space<hbm>> -> memref<16384xi32, #tpu.memory_space<hbm>>
        %dma_start3A_701 = tpu.memref_slice %arg7[%mul3A_696] : memref<32768xi32, #tpu.memory_space<vmem>> -> memref<16384xi32, #tpu.memory_space<vmem>>
        %dma_start3A_702 = arith.constant 0 : i32
        %dma_start3A_703 = tpu.memref_slice %arg4[%select_n3A_692, %dma_start3A_702] : memref<26x16384xi32, #tpu.memory_space<hbm>> -> memref<1x16384xi32, #tpu.memory_space<hbm>>
        %dma_start3A_704 = tpu.memref_squeeze %dma_start3A_703 : memref<1x16384xi32, #tpu.memory_space<hbm>> -> memref<16384xi32, #tpu.memory_space<hbm>>
        tpu.enqueue_dma source(%dma_start3A_704 : memref<16384xi32, #tpu.memory_space<hbm>>) target(%dma_start3A_701 : memref<16384xi32, #tpu.memory_space<vmem>>) target_semaphore(%arg12 : memref<!tpu.dma_semaphore, #tpu.memory_space<semaphore_mem>>)
      } else {
      }
      %ge3A = arith.constant 2 : i32
      %ge3A_164 = arith.cmpi sge, %scan3A_117, %ge3A : i32
      %eq3A_165 = arith.constant 0 : i32
      %eq3A_166 = arith.cmpi eq, %rem3A_119, %eq3A_165 : i32
      %and3A_167 = arith.andi %ge3A_164, %eq3A_166 : i1
      %convert_element_type3A_168 = arith.extui %and3A_167 : i1 to i32
      %cond3A_169 = arith.constant 0 : i32
      %cond3A_170 = arith.cmpi ne, %convert_element_type3A_168, %cond3A_169 : i32
      scf.if %cond3A_170 {
        %rem3A_666 = arith.constant 2 : i32
        %rem3A_667 = arith.remsi %scan3A_117, %rem3A_666 : i32
        %mul3A_668 = arith.constant 16384 : i32
        %mul3A_669 = arith.muli %rem3A_667, %mul3A_668 : i32
        %add3A_670 = arith.addi %mul3A_2, %scan3A_117 : i32
        %dma_wait3A_671 = tpu.memref_slice %arg8[%mul3A_669] : memref<32768xf32, #tpu.memory_space<vmem>> -> memref<16384xf32, #tpu.memory_space<vmem>>
        %dma_wait3A_672 = arith.constant 0 : i32
        %dma_wait3A_673 = tpu.memref_slice %arg5[%add3A_670, %dma_wait3A_672] : memref<416x16384xf32, #tpu.memory_space<hbm>> -> memref<1x16384xf32, #tpu.memory_space<hbm>>
        %dma_wait3A_674 = tpu.memref_squeeze %dma_wait3A_673 : memref<1x16384xf32, #tpu.memory_space<hbm>> -> memref<16384xf32, #tpu.memory_space<hbm>>
        %dma_wait3A_675 = arith.constant 0 : i32
        %dma_wait3A_676 = tpu.memref_slice %arg5[%add3A_670, %dma_wait3A_675] : memref<416x16384xf32, #tpu.memory_space<hbm>> -> memref<1x16384xf32, #tpu.memory_space<hbm>>
        %dma_wait3A_677 = tpu.memref_squeeze %dma_wait3A_676 : memref<1x16384xf32, #tpu.memory_space<hbm>> -> memref<16384xf32, #tpu.memory_space<hbm>>
        %dma_wait3A_678 = tpu.memref_slice %arg8[%mul3A_669] : memref<32768xf32, #tpu.memory_space<vmem>> -> memref<16384xf32, #tpu.memory_space<vmem>>
        tpu.wait_dma2 semaphore(%arg13 : memref<!tpu.dma_semaphore, #tpu.memory_space<semaphore_mem>>) src(%dma_wait3A_678 : memref<16384xf32, #tpu.memory_space<vmem>>) dst(%dma_wait3A_677 : memref<16384xf32, #tpu.memory_space<hbm>>)
      } else {
      }
      %ge3A_171 = arith.constant 2 : i32
      %ge3A_172 = arith.cmpi sge, %scan3A_117, %ge3A_171 : i32
      %eq3A_173 = arith.constant 1 : i32
      %eq3A_174 = arith.cmpi eq, %rem3A_119, %eq3A_173 : i32
      %and3A_175 = arith.andi %ge3A_172, %eq3A_174 : i1
      %convert_element_type3A_176 = arith.extui %and3A_175 : i1 to i32
      %cond3A_177 = arith.constant 0 : i32
      %cond3A_178 = arith.cmpi ne, %convert_element_type3A_176, %cond3A_177 : i32
      scf.if %cond3A_178 {
        %rem3A_666 = arith.constant 2 : i32
        %rem3A_667 = arith.remsi %scan3A_117, %rem3A_666 : i32
        %mul3A_668 = arith.constant 16384 : i32
        %mul3A_669 = arith.muli %rem3A_667, %mul3A_668 : i32
        %add3A_670 = arith.addi %mul3A_2, %scan3A_117 : i32
        %dma_wait3A_671 = tpu.memref_slice %arg8[%mul3A_669] : memref<32768xf32, #tpu.memory_space<vmem>> -> memref<16384xf32, #tpu.memory_space<vmem>>
        %dma_wait3A_672 = arith.constant 0 : i32
        %dma_wait3A_673 = tpu.memref_slice %arg5[%add3A_670, %dma_wait3A_672] : memref<416x16384xf32, #tpu.memory_space<hbm>> -> memref<1x16384xf32, #tpu.memory_space<hbm>>
        %dma_wait3A_674 = tpu.memref_squeeze %dma_wait3A_673 : memref<1x16384xf32, #tpu.memory_space<hbm>> -> memref<16384xf32, #tpu.memory_space<hbm>>
        %dma_wait3A_675 = arith.constant 0 : i32
        %dma_wait3A_676 = tpu.memref_slice %arg5[%add3A_670, %dma_wait3A_675] : memref<416x16384xf32, #tpu.memory_space<hbm>> -> memref<1x16384xf32, #tpu.memory_space<hbm>>
        %dma_wait3A_677 = tpu.memref_squeeze %dma_wait3A_676 : memref<1x16384xf32, #tpu.memory_space<hbm>> -> memref<16384xf32, #tpu.memory_space<hbm>>
        %dma_wait3A_678 = tpu.memref_slice %arg8[%mul3A_669] : memref<32768xf32, #tpu.memory_space<vmem>> -> memref<16384xf32, #tpu.memory_space<vmem>>
        tpu.wait_dma2 semaphore(%arg14 : memref<!tpu.dma_semaphore, #tpu.memory_space<semaphore_mem>>) src(%dma_wait3A_678 : memref<16384xf32, #tpu.memory_space<vmem>>) dst(%dma_wait3A_677 : memref<16384xf32, #tpu.memory_space<hbm>>)
      } else {
      }
      %add3A_179 = arith.addi %mul3A_2, %scan3A_117 : i32
      %jit3A_180 = arith.constant 16 : i32
      %div3A_181 = arith.divsi %add3A_179, %jit3A_180 : i32
      %sign3A_182 = arith.constant 0 : i32
      %sign3A_183 = arith.cmpi sgt, %add3A_179, %sign3A_182 : i32
      %sign3A_184 = arith.extui %sign3A_183 : i1 to i32
      %sign3A_185 = arith.constant 0 : i32
      %sign3A_186 = arith.cmpi slt, %add3A_179, %sign3A_185 : i32
      %sign3A_187 = arith.extui %sign3A_186 : i1 to i32
      %sign3A_188 = arith.subi %sign3A_184, %sign3A_187 : i32
      %sign3A_189 = arith.constant 0 : i32
      %sign3A_190 = arith.cmpi sgt, %jit3A_180, %sign3A_189 : i32
      %sign3A_191 = arith.extui %sign3A_190 : i1 to i32
      %sign3A_192 = arith.constant 0 : i32
      %sign3A_193 = arith.cmpi slt, %jit3A_180, %sign3A_192 : i32
      %sign3A_194 = arith.extui %sign3A_193 : i1 to i32
      %sign3A_195 = arith.subi %sign3A_191, %sign3A_194 : i32
      %ne3A_196 = arith.cmpi ne, %sign3A_188, %sign3A_195 : i32
      %rem3A_197 = arith.remsi %add3A_179, %jit3A_180 : i32
      %ne3A_198 = arith.constant 0 : i32
      %ne3A_199 = arith.cmpi ne, %rem3A_197, %ne3A_198 : i32
      %and3A_200 = arith.andi %ne3A_196, %ne3A_199 : i1
      %sub3A_201 = arith.constant 1 : i32
      %sub3A_202 = arith.subi %div3A_181, %sub3A_201 : i32
      %select_n3A_203 = arith.select %and3A_200, %sub3A_202, %div3A_181 : i32
      %jit3A_204 = arith.constant 16 : i32
      %eq3A_205 = arith.constant 0 : i32
      %eq3A_206 = arith.cmpi eq, %jit3A_204, %eq3A_205 : i32
      %jit3A_207 = arith.constant 1 : i32
      %select_n3A_208 = arith.select %eq3A_206, %jit3A_207, %jit3A_204 : i32
      %rem3A_209 = arith.remsi %add3A_179, %select_n3A_208 : i32
      %ne3A_210 = arith.constant 0 : i32
      %ne3A_211 = arith.cmpi ne, %rem3A_209, %ne3A_210 : i32
      %lt3A_212 = arith.constant 0 : i32
      %lt3A_213 = arith.cmpi slt, %rem3A_209, %lt3A_212 : i32
      %lt3A_214 = arith.constant 0 : i32
      %lt3A_215 = arith.cmpi slt, %select_n3A_208, %lt3A_214 : i32
      %ne3A_216 = arith.xori %lt3A_213, %lt3A_215 : i1
      %and3A_217 = arith.andi %ne3A_216, %ne3A_211 : i1
      %add3A_218 = arith.addi %rem3A_209, %select_n3A_208 : i32
      %select_n3A_219 = arith.select %and3A_217, %add3A_218, %rem3A_209 : i32
      %dma_start3A_220 = arith.constant 25088 : i32
      %dma_start3A_221 = tpu.memref_slice %arg6[%dma_start3A_220] : memref<50304xf32, #tpu.memory_space<vmem>> -> memref<25088xf32, #tpu.memory_space<vmem>>
      %dma_start3A_222 = arith.constant 25088 : i32
      %dma_start3A_223 = tpu.memref_slice %arg2[%select_n3A_203, %select_n3A_219, %dma_start3A_222] : memref<26x16x100000xf32, #tpu.memory_space<hbm>> -> memref<1x1x25088xf32, #tpu.memory_space<hbm>>
      %dma_start3A_224 = tpu.memref_squeeze %dma_start3A_223 : memref<1x1x25088xf32, #tpu.memory_space<hbm>> -> memref<25088xf32, #tpu.memory_space<hbm>>
      %dma_start3A_225 = arith.constant 25088 : i32
      %dma_start3A_226 = tpu.memref_slice %arg6[%dma_start3A_225] : memref<50304xf32, #tpu.memory_space<vmem>> -> memref<25088xf32, #tpu.memory_space<vmem>>
      %dma_start3A_227 = arith.constant 25088 : i32
      %dma_start3A_228 = tpu.memref_slice %arg2[%select_n3A_203, %select_n3A_219, %dma_start3A_227] : memref<26x16x100000xf32, #tpu.memory_space<hbm>> -> memref<1x1x25088xf32, #tpu.memory_space<hbm>>
      %dma_start3A_229 = tpu.memref_squeeze %dma_start3A_228 : memref<1x1x25088xf32, #tpu.memory_space<hbm>> -> memref<25088xf32, #tpu.memory_space<hbm>>
      tpu.enqueue_dma source(%dma_start3A_229 : memref<25088xf32, #tpu.memory_space<hbm>>) target(%dma_start3A_226 : memref<25088xf32, #tpu.memory_space<vmem>>) target_semaphore(%arg10 : memref<!tpu.dma_semaphore, #tpu.memory_space<semaphore_mem>>)
      %add3A_230 = arith.addi %mul3A_2, %scan3A_117 : i32
      %jit3A_231 = arith.constant 16 : i32
      %div3A_232 = arith.divsi %add3A_230, %jit3A_231 : i32
      %sign3A_233 = arith.constant 0 : i32
      %sign3A_234 = arith.cmpi sgt, %add3A_230, %sign3A_233 : i32
      %sign3A_235 = arith.extui %sign3A_234 : i1 to i32
      %sign3A_236 = arith.constant 0 : i32
      %sign3A_237 = arith.cmpi slt, %add3A_230, %sign3A_236 : i32
      %sign3A_238 = arith.extui %sign3A_237 : i1 to i32
      %sign3A_239 = arith.subi %sign3A_235, %sign3A_238 : i32
      %sign3A_240 = arith.constant 0 : i32
      %sign3A_241 = arith.cmpi sgt, %jit3A_231, %sign3A_240 : i32
      %sign3A_242 = arith.extui %sign3A_241 : i1 to i32
      %sign3A_243 = arith.constant 0 : i32
      %sign3A_244 = arith.cmpi slt, %jit3A_231, %sign3A_243 : i32
      %sign3A_245 = arith.extui %sign3A_244 : i1 to i32
      %sign3A_246 = arith.subi %sign3A_242, %sign3A_245 : i32
      %ne3A_247 = arith.cmpi ne, %sign3A_239, %sign3A_246 : i32
      %rem3A_248 = arith.remsi %add3A_230, %jit3A_231 : i32
      %ne3A_249 = arith.constant 0 : i32
      %ne3A_250 = arith.cmpi ne, %rem3A_248, %ne3A_249 : i32
      %and3A_251 = arith.andi %ne3A_247, %ne3A_250 : i1
      %sub3A_252 = arith.constant 1 : i32
      %sub3A_253 = arith.subi %div3A_232, %sub3A_252 : i32
      %select_n3A_254 = arith.select %and3A_251, %sub3A_253, %div3A_232 : i32
      %jit3A_255 = arith.constant 16 : i32
      %eq3A_256 = arith.constant 0 : i32
      %eq3A_257 = arith.cmpi eq, %jit3A_255, %eq3A_256 : i32
      %jit3A_258 = arith.constant 1 : i32
      %select_n3A_259 = arith.select %eq3A_257, %jit3A_258, %jit3A_255 : i32
      %rem3A_260 = arith.remsi %add3A_230, %select_n3A_259 : i32
      %ne3A_261 = arith.constant 0 : i32
      %ne3A_262 = arith.cmpi ne, %rem3A_260, %ne3A_261 : i32
      %lt3A_263 = arith.constant 0 : i32
      %lt3A_264 = arith.cmpi slt, %rem3A_260, %lt3A_263 : i32
      %lt3A_265 = arith.constant 0 : i32
      %lt3A_266 = arith.cmpi slt, %select_n3A_259, %lt3A_265 : i32
      %ne3A_267 = arith.xori %lt3A_264, %lt3A_266 : i1
      %and3A_268 = arith.andi %ne3A_267, %ne3A_262 : i1
      %add3A_269 = arith.addi %rem3A_260, %select_n3A_259 : i32
      %select_n3A_270 = arith.select %and3A_268, %add3A_269, %rem3A_260 : i32
      %dma_wait3A_271 = arith.constant 0 : i32
      %dma_wait3A_272 = tpu.memref_slice %arg6[%dma_wait3A_271] : memref<50304xf32, #tpu.memory_space<vmem>> -> memref<25088xf32, #tpu.memory_space<vmem>>
      %dma_wait3A_273 = arith.constant 0 : i32
      %dma_wait3A_274 = tpu.memref_slice %arg2[%select_n3A_254, %select_n3A_270, %dma_wait3A_273] : memref<26x16x100000xf32, #tpu.memory_space<hbm>> -> memref<1x1x25088xf32, #tpu.memory_space<hbm>>
      %dma_wait3A_275 = tpu.memref_squeeze %dma_wait3A_274 : memref<1x1x25088xf32, #tpu.memory_space<hbm>> -> memref<25088xf32, #tpu.memory_space<hbm>>
      %dma_wait3A_276 = arith.constant 0 : i32
      %dma_wait3A_277 = tpu.memref_slice %arg6[%dma_wait3A_276] : memref<50304xf32, #tpu.memory_space<vmem>> -> memref<25088xf32, #tpu.memory_space<vmem>>
      %dma_wait3A_278 = arith.constant 0 : i32
      %dma_wait3A_279 = tpu.memref_slice %arg2[%select_n3A_254, %select_n3A_270, %dma_wait3A_278] : memref<26x16x100000xf32, #tpu.memory_space<hbm>> -> memref<1x1x25088xf32, #tpu.memory_space<hbm>>
      %dma_wait3A_280 = tpu.memref_squeeze %dma_wait3A_279 : memref<1x1x25088xf32, #tpu.memory_space<hbm>> -> memref<25088xf32, #tpu.memory_space<hbm>>
      tpu.wait_dma2 semaphore(%arg9 : memref<!tpu.dma_semaphore, #tpu.memory_space<semaphore_mem>>) src(%dma_wait3A_280 : memref<25088xf32, #tpu.memory_space<hbm>>) dst(%dma_wait3A_277 : memref<25088xf32, #tpu.memory_space<vmem>>)
      %parallel_loop3A = arith.constant 0 : i32
      %parallel_loop3A_281 = arith.constant 1024 : i32
      %parallel_loop3A_282 = arith.constant 1 : i32
      scf.for %parallel_loop3A_666 = %parallel_loop3A to %parallel_loop3A_281 step %parallel_loop3A_282  : i32 {
        %parallel_loop3A_667 = arith.constant 16 : i32
        %parallel_loop3A_668 = arith.muli %parallel_loop3A_666, %parallel_loop3A_667 : i32
        %parallel_loop3A_669 = arith.addi %mul3A_121, %parallel_loop3A_668 : i32
        %parallel_loop3A_670 = arith.index_cast %parallel_loop3A_669 : i32 to index
        %parallel_loop3A_671 = tpu.vector_load %arg7[%parallel_loop3A_670] {strides = array<i32>} : memref<32768xi32, #tpu.memory_space<vmem>>, vector<16xi32>,
        %parallel_loop3A_672 = arith.constant 0 : i32
        %parallel_loop3A_673 = vector.broadcast %parallel_loop3A_672 : i32 to vector<16xi32>
        %parallel_loop3A_674 = arith.subi %parallel_loop3A_671, %parallel_loop3A_673 : vector<16xi32>
        %parallel_loop3A_675 = arith.constant 0 : i32
        %parallel_loop3A_676 = arith.constant 25087 : i32
        %parallel_loop3A_677 = vector.broadcast %parallel_loop3A_675 : i32 to vector<16xi32>
        %parallel_loop3A_678 = arith.maxsi %parallel_loop3A_677, %parallel_loop3A_674 : vector<16xi32>
        %parallel_loop3A_679 = vector.broadcast %parallel_loop3A_676 : i32 to vector<16xi32>
        %parallel_loop3A_680 = arith.minsi %parallel_loop3A_679, %parallel_loop3A_678 : vector<16xi32>
        %parallel_loop3A_681 = arith.constant 0 : i32
        %parallel_loop3A_682 = vector.broadcast %parallel_loop3A_681 : i32 to vector<16xi32>
        %parallel_loop3A_683 = arith.addi %parallel_loop3A_680, %parallel_loop3A_682 : vector<16xi32>
        %parallel_loop3A_684 = tpu.vector_load_idx %arg6[%parallel_loop3A_683] : memref<50304xf32, #tpu.memory_space<vmem>>[vector<16xi32>], vector<16xf32>,
        %parallel_loop3A_685 = arith.constant 0 : i32
        %parallel_loop3A_686 = vector.broadcast %parallel_loop3A_685 : i32 to vector<16xi32>
        %parallel_loop3A_687 = arith.cmpi sge, %parallel_loop3A_671, %parallel_loop3A_686 : vector<16xi32>
        %parallel_loop3A_688 = arith.constant 25088 : i32
        %parallel_loop3A_689 = vector.broadcast %parallel_loop3A_688 : i32 to vector<16xi32>
        %parallel_loop3A_690 = arith.cmpi slt, %parallel_loop3A_671, %parallel_loop3A_689 : vector<16xi32>
        %parallel_loop3A_691 = arith.andi %parallel_loop3A_687, %parallel_loop3A_690 : vector<16xi1>
        %parallel_loop3A_692 = tpu.iota {dimensions = array<i32: 0>} : vector<16xi32>
        %parallel_loop3A_693 = vector.broadcast %parallel_loop3A_669 : i32 to vector<16xi32>
        %parallel_loop3A_694 = arith.addi %parallel_loop3A_693, %parallel_loop3A_692 : vector<16xi32>
        tpu.vector_store_idx %arg8[%parallel_loop3A_694], %parallel_loop3A_684 masked %parallel_loop3A_691 : memref<32768xf32, #tpu.memory_space<vmem>>[vector<16xi32>], vector<16xf32>, vector<16xi1>
      } {sc.loop_unroll_factor = 8 : i64, sc.parallel_access}
      %add3A_283 = arith.addi %mul3A_2, %scan3A_117 : i32
      %jit3A_284 = arith.constant 16 : i32
      %div3A_285 = arith.divsi %add3A_283, %jit3A_284 : i32
      %sign3A_286 = arith.constant 0 : i32
      %sign3A_287 = arith.cmpi sgt, %add3A_283, %sign3A_286 : i32
      %sign3A_288 = arith.extui %sign3A_287 : i1 to i32
      %sign3A_289 = arith.constant 0 : i32
      %sign3A_290 = arith.cmpi slt, %add3A_283, %sign3A_289 : i32
      %sign3A_291 = arith.extui %sign3A_290 : i1 to i32
      %sign3A_292 = arith.subi %sign3A_288, %sign3A_291 : i32
      %sign3A_293 = arith.constant 0 : i32
      %sign3A_294 = arith.cmpi sgt, %jit3A_284, %sign3A_293 : i32
      %sign3A_295 = arith.extui %sign3A_294 : i1 to i32
      %sign3A_296 = arith.constant 0 : i32
      %sign3A_297 = arith.cmpi slt, %jit3A_284, %sign3A_296 : i32
      %sign3A_298 = arith.extui %sign3A_297 : i1 to i32
      %sign3A_299 = arith.subi %sign3A_295, %sign3A_298 : i32
      %ne3A_300 = arith.cmpi ne, %sign3A_292, %sign3A_299 : i32
      %rem3A_301 = arith.remsi %add3A_283, %jit3A_284 : i32
      %ne3A_302 = arith.constant 0 : i32
      %ne3A_303 = arith.cmpi ne, %rem3A_301, %ne3A_302 : i32
      %and3A_304 = arith.andi %ne3A_300, %ne3A_303 : i1
      %sub3A_305 = arith.constant 1 : i32
      %sub3A_306 = arith.subi %div3A_285, %sub3A_305 : i32
      %select_n3A_307 = arith.select %and3A_304, %sub3A_306, %div3A_285 : i32
      %jit3A_308 = arith.constant 16 : i32
      %eq3A_309 = arith.constant 0 : i32
      %eq3A_310 = arith.cmpi eq, %jit3A_308, %eq3A_309 : i32
      %jit3A_311 = arith.constant 1 : i32
      %select_n3A_312 = arith.select %eq3A_310, %jit3A_311, %jit3A_308 : i32
      %rem3A_313 = arith.remsi %add3A_283, %select_n3A_312 : i32
      %ne3A_314 = arith.constant 0 : i32
      %ne3A_315 = arith.cmpi ne, %rem3A_313, %ne3A_314 : i32
      %lt3A_316 = arith.constant 0 : i32
      %lt3A_317 = arith.cmpi slt, %rem3A_313, %lt3A_316 : i32
      %lt3A_318 = arith.constant 0 : i32
      %lt3A_319 = arith.cmpi slt, %select_n3A_312, %lt3A_318 : i32
      %ne3A_320 = arith.xori %lt3A_317, %lt3A_319 : i1
      %and3A_321 = arith.andi %ne3A_320, %ne3A_315 : i1
      %add3A_322 = arith.addi %rem3A_313, %select_n3A_312 : i32
      %select_n3A_323 = arith.select %and3A_321, %add3A_322, %rem3A_313 : i32
      %dma_start3A_324 = arith.constant 0 : i32
      %dma_start3A_325 = tpu.memref_slice %arg6[%dma_start3A_324] : memref<50304xf32, #tpu.memory_space<vmem>> -> memref<25088xf32, #tpu.memory_space<vmem>>
      %dma_start3A_326 = arith.constant 50176 : i32
      %dma_start3A_327 = tpu.memref_slice %arg2[%select_n3A_307, %select_n3A_323, %dma_start3A_326] : memref<26x16x100000xf32, #tpu.memory_space<hbm>> -> memref<1x1x25088xf32, #tpu.memory_space<hbm>>
      %dma_start3A_328 = tpu.memref_squeeze %dma_start3A_327 : memref<1x1x25088xf32, #tpu.memory_space<hbm>> -> memref<25088xf32, #tpu.memory_space<hbm>>
      %dma_start3A_329 = arith.constant 0 : i32
      %dma_start3A_330 = tpu.memref_slice %arg6[%dma_start3A_329] : memref<50304xf32, #tpu.memory_space<vmem>> -> memref<25088xf32, #tpu.memory_space<vmem>>
      %dma_start3A_331 = arith.constant 50176 : i32
      %dma_start3A_332 = tpu.memref_slice %arg2[%select_n3A_307, %select_n3A_323, %dma_start3A_331] : memref<26x16x100000xf32, #tpu.memory_space<hbm>> -> memref<1x1x25088xf32, #tpu.memory_space<hbm>>
      %dma_start3A_333 = tpu.memref_squeeze %dma_start3A_332 : memref<1x1x25088xf32, #tpu.memory_space<hbm>> -> memref<25088xf32, #tpu.memory_space<hbm>>
      tpu.enqueue_dma source(%dma_start3A_333 : memref<25088xf32, #tpu.memory_space<hbm>>) target(%dma_start3A_330 : memref<25088xf32, #tpu.memory_space<vmem>>) target_semaphore(%arg9 : memref<!tpu.dma_semaphore, #tpu.memory_space<semaphore_mem>>)
      %add3A_334 = arith.addi %mul3A_2, %scan3A_117 : i32
      %jit3A_335 = arith.constant 16 : i32
      %div3A_336 = arith.divsi %add3A_334, %jit3A_335 : i32
      %sign3A_337 = arith.constant 0 : i32
      %sign3A_338 = arith.cmpi sgt, %add3A_334, %sign3A_337 : i32
      %sign3A_339 = arith.extui %sign3A_338 : i1 to i32
      %sign3A_340 = arith.constant 0 : i32
      %sign3A_341 = arith.cmpi slt, %add3A_334, %sign3A_340 : i32
      %sign3A_342 = arith.extui %sign3A_341 : i1 to i32
      %sign3A_343 = arith.subi %sign3A_339, %sign3A_342 : i32
      %sign3A_344 = arith.constant 0 : i32
      %sign3A_345 = arith.cmpi sgt, %jit3A_335, %sign3A_344 : i32
      %sign3A_346 = arith.extui %sign3A_345 : i1 to i32
      %sign3A_347 = arith.constant 0 : i32
      %sign3A_348 = arith.cmpi slt, %jit3A_335, %sign3A_347 : i32
      %sign3A_349 = arith.extui %sign3A_348 : i1 to i32
      %sign3A_350 = arith.subi %sign3A_346, %sign3A_349 : i32
      %ne3A_351 = arith.cmpi ne, %sign3A_343, %sign3A_350 : i32
      %rem3A_352 = arith.remsi %add3A_334, %jit3A_335 : i32
      %ne3A_353 = arith.constant 0 : i32
      %ne3A_354 = arith.cmpi ne, %rem3A_352, %ne3A_353 : i32
      %and3A_355 = arith.andi %ne3A_351, %ne3A_354 : i1
      %sub3A_356 = arith.constant 1 : i32
      %sub3A_357 = arith.subi %div3A_336, %sub3A_356 : i32
      %select_n3A_358 = arith.select %and3A_355, %sub3A_357, %div3A_336 : i32
      %jit3A_359 = arith.constant 16 : i32
      %eq3A_360 = arith.constant 0 : i32
      %eq3A_361 = arith.cmpi eq, %jit3A_359, %eq3A_360 : i32
      %jit3A_362 = arith.constant 1 : i32
      %select_n3A_363 = arith.select %eq3A_361, %jit3A_362, %jit3A_359 : i32
      %rem3A_364 = arith.remsi %add3A_334, %select_n3A_363 : i32
      %ne3A_365 = arith.constant 0 : i32
      %ne3A_366 = arith.cmpi ne, %rem3A_364, %ne3A_365 : i32
      %lt3A_367 = arith.constant 0 : i32
      %lt3A_368 = arith.cmpi slt, %rem3A_364, %lt3A_367 : i32
      %lt3A_369 = arith.constant 0 : i32
      %lt3A_370 = arith.cmpi slt, %select_n3A_363, %lt3A_369 : i32
      %ne3A_371 = arith.xori %lt3A_368, %lt3A_370 : i1
      %and3A_372 = arith.andi %ne3A_371, %ne3A_366 : i1
      %add3A_373 = arith.addi %rem3A_364, %select_n3A_363 : i32
      %select_n3A_374 = arith.select %and3A_372, %add3A_373, %rem3A_364 : i32
      %dma_wait3A_375 = arith.constant 25088 : i32
      %dma_wait3A_376 = tpu.memref_slice %arg6[%dma_wait3A_375] : memref<50304xf32, #tpu.memory_space<vmem>> -> memref<25088xf32, #tpu.memory_space<vmem>>
      %dma_wait3A_377 = arith.constant 25088 : i32
      %dma_wait3A_378 = tpu.memref_slice %arg2[%select_n3A_358, %select_n3A_374, %dma_wait3A_377] : memref<26x16x100000xf32, #tpu.memory_space<hbm>> -> memref<1x1x25088xf32, #tpu.memory_space<hbm>>
      %dma_wait3A_379 = tpu.memref_squeeze %dma_wait3A_378 : memref<1x1x25088xf32, #tpu.memory_space<hbm>> -> memref<25088xf32, #tpu.memory_space<hbm>>
      %dma_wait3A_380 = arith.constant 25088 : i32
      %dma_wait3A_381 = tpu.memref_slice %arg6[%dma_wait3A_380] : memref<50304xf32, #tpu.memory_space<vmem>> -> memref<25088xf32, #tpu.memory_space<vmem>>
      %dma_wait3A_382 = arith.constant 25088 : i32
      %dma_wait3A_383 = tpu.memref_slice %arg2[%select_n3A_358, %select_n3A_374, %dma_wait3A_382] : memref<26x16x100000xf32, #tpu.memory_space<hbm>> -> memref<1x1x25088xf32, #tpu.memory_space<hbm>>
      %dma_wait3A_384 = tpu.memref_squeeze %dma_wait3A_383 : memref<1x1x25088xf32, #tpu.memory_space<hbm>> -> memref<25088xf32, #tpu.memory_space<hbm>>
      tpu.wait_dma2 semaphore(%arg10 : memref<!tpu.dma_semaphore, #tpu.memory_space<semaphore_mem>>) src(%dma_wait3A_384 : memref<25088xf32, #tpu.memory_space<hbm>>) dst(%dma_wait3A_381 : memref<25088xf32, #tpu.memory_space<vmem>>)
      %parallel_loop3A_385 = arith.constant 0 : i32
      %parallel_loop3A_386 = arith.constant 1024 : i32
      %parallel_loop3A_387 = arith.constant 1 : i32
      scf.for %parallel_loop3A_666 = %parallel_loop3A_385 to %parallel_loop3A_386 step %parallel_loop3A_387  : i32 {
        %parallel_loop3A_667 = arith.constant 16 : i32
        %parallel_loop3A_668 = arith.muli %parallel_loop3A_666, %parallel_loop3A_667 : i32
        %parallel_loop3A_669 = arith.addi %mul3A_121, %parallel_loop3A_668 : i32
        %parallel_loop3A_670 = arith.index_cast %parallel_loop3A_669 : i32 to index
        %parallel_loop3A_671 = tpu.vector_load %arg7[%parallel_loop3A_670] {strides = array<i32>} : memref<32768xi32, #tpu.memory_space<vmem>>, vector<16xi32>,
        %parallel_loop3A_672 = arith.constant 25088 : i32
        %parallel_loop3A_673 = vector.broadcast %parallel_loop3A_672 : i32 to vector<16xi32>
        %parallel_loop3A_674 = arith.subi %parallel_loop3A_671, %parallel_loop3A_673 : vector<16xi32>
        %parallel_loop3A_675 = arith.constant 0 : i32
        %parallel_loop3A_676 = arith.constant 25087 : i32
        %parallel_loop3A_677 = vector.broadcast %parallel_loop3A_675 : i32 to vector<16xi32>
        %parallel_loop3A_678 = arith.maxsi %parallel_loop3A_677, %parallel_loop3A_674 : vector<16xi32>
        %parallel_loop3A_679 = vector.broadcast %parallel_loop3A_676 : i32 to vector<16xi32>
        %parallel_loop3A_680 = arith.minsi %parallel_loop3A_679, %parallel_loop3A_678 : vector<16xi32>
        %parallel_loop3A_681 = arith.constant 25088 : i32
        %parallel_loop3A_682 = vector.broadcast %parallel_loop3A_681 : i32 to vector<16xi32>
        %parallel_loop3A_683 = arith.addi %parallel_loop3A_680, %parallel_loop3A_682 : vector<16xi32>
        %parallel_loop3A_684 = tpu.vector_load_idx %arg6[%parallel_loop3A_683] : memref<50304xf32, #tpu.memory_space<vmem>>[vector<16xi32>], vector<16xf32>,
        %parallel_loop3A_685 = arith.constant 25088 : i32
        %parallel_loop3A_686 = vector.broadcast %parallel_loop3A_685 : i32 to vector<16xi32>
        %parallel_loop3A_687 = arith.cmpi sge, %parallel_loop3A_671, %parallel_loop3A_686 : vector<16xi32>
        %parallel_loop3A_688 = arith.constant 50176 : i32
        %parallel_loop3A_689 = vector.broadcast %parallel_loop3A_688 : i32 to vector<16xi32>
        %parallel_loop3A_690 = arith.cmpi slt, %parallel_loop3A_671, %parallel_loop3A_689 : vector<16xi32>
        %parallel_loop3A_691 = arith.andi %parallel_loop3A_687, %parallel_loop3A_690 : vector<16xi1>
        %parallel_loop3A_692 = tpu.iota {dimensions = array<i32: 0>} : vector<16xi32>
        %parallel_loop3A_693 = vector.broadcast %parallel_loop3A_669 : i32 to vector<16xi32>
        %parallel_loop3A_694 = arith.addi %parallel_loop3A_693, %parallel_loop3A_692 : vector<16xi32>
        tpu.vector_store_idx %arg8[%parallel_loop3A_694], %parallel_loop3A_684 masked %parallel_loop3A_691 : memref<32768xf32, #tpu.memory_space<vmem>>[vector<16xi32>], vector<16xf32>, vector<16xi1>
      } {sc.loop_unroll_factor = 8 : i64, sc.parallel_access}
      %add3A_388 = arith.addi %mul3A_2, %scan3A_117 : i32
      %jit3A_389 = arith.constant 16 : i32
      %div3A_390 = arith.divsi %add3A_388, %jit3A_389 : i32
      %sign3A_391 = arith.constant 0 : i32
      %sign3A_392 = arith.cmpi sgt, %add3A_388, %sign3A_391 : i32
      %sign3A_393 = arith.extui %sign3A_392 : i1 to i32
      %sign3A_394 = arith.constant 0 : i32
      %sign3A_395 = arith.cmpi slt, %add3A_388, %sign3A_394 : i32
      %sign3A_396 = arith.extui %sign3A_395 : i1 to i32
      %sign3A_397 = arith.subi %sign3A_393, %sign3A_396 : i32
      %sign3A_398 = arith.constant 0 : i32
      %sign3A_399 = arith.cmpi sgt, %jit3A_389, %sign3A_398 : i32
      %sign3A_400 = arith.extui %sign3A_399 : i1 to i32
      %sign3A_401 = arith.constant 0 : i32
      %sign3A_402 = arith.cmpi slt, %jit3A_389, %sign3A_401 : i32
      %sign3A_403 = arith.extui %sign3A_402 : i1 to i32
      %sign3A_404 = arith.subi %sign3A_400, %sign3A_403 : i32
      %ne3A_405 = arith.cmpi ne, %sign3A_397, %sign3A_404 : i32
      %rem3A_406 = arith.remsi %add3A_388, %jit3A_389 : i32
      %ne3A_407 = arith.constant 0 : i32
      %ne3A_408 = arith.cmpi ne, %rem3A_406, %ne3A_407 : i32
      %and3A_409 = arith.andi %ne3A_405, %ne3A_408 : i1
      %sub3A_410 = arith.constant 1 : i32
      %sub3A_411 = arith.subi %div3A_390, %sub3A_410 : i32
      %select_n3A_412 = arith.select %and3A_409, %sub3A_411, %div3A_390 : i32
      %jit3A_413 = arith.constant 16 : i32
      %eq3A_414 = arith.constant 0 : i32
      %eq3A_415 = arith.cmpi eq, %jit3A_413, %eq3A_414 : i32
      %jit3A_416 = arith.constant 1 : i32
      %select_n3A_417 = arith.select %eq3A_415, %jit3A_416, %jit3A_413 : i32
      %rem3A_418 = arith.remsi %add3A_388, %select_n3A_417 : i32
      %ne3A_419 = arith.constant 0 : i32
      %ne3A_420 = arith.cmpi ne, %rem3A_418, %ne3A_419 : i32
      %lt3A_421 = arith.constant 0 : i32
      %lt3A_422 = arith.cmpi slt, %rem3A_418, %lt3A_421 : i32
      %lt3A_423 = arith.constant 0 : i32
      %lt3A_424 = arith.cmpi slt, %select_n3A_417, %lt3A_423 : i32
      %ne3A_425 = arith.xori %lt3A_422, %lt3A_424 : i1
      %and3A_426 = arith.andi %ne3A_425, %ne3A_420 : i1
      %add3A_427 = arith.addi %rem3A_418, %select_n3A_417 : i32
      %select_n3A_428 = arith.select %and3A_426, %add3A_427, %rem3A_418 : i32
      %dma_start3A_429 = arith.constant 25088 : i32
      %dma_start3A_430 = tpu.memref_slice %arg6[%dma_start3A_429] : memref<50304xf32, #tpu.memory_space<vmem>> -> memref<25088xf32, #tpu.memory_space<vmem>>
      %dma_start3A_431 = arith.constant 74880 : i32
      %dma_start3A_432 = tpu.memref_slice %arg2[%select_n3A_412, %select_n3A_428, %dma_start3A_431] : memref<26x16x100000xf32, #tpu.memory_space<hbm>> -> memref<1x1x25088xf32, #tpu.memory_space<hbm>>
      %dma_start3A_433 = tpu.memref_squeeze %dma_start3A_432 : memref<1x1x25088xf32, #tpu.memory_space<hbm>> -> memref<25088xf32, #tpu.memory_space<hbm>>
      %dma_start3A_434 = arith.constant 25088 : i32
      %dma_start3A_435 = tpu.memref_slice %arg6[%dma_start3A_434] : memref<50304xf32, #tpu.memory_space<vmem>> -> memref<25088xf32, #tpu.memory_space<vmem>>
      %dma_start3A_436 = arith.constant 74880 : i32
      %dma_start3A_437 = tpu.memref_slice %arg2[%select_n3A_412, %select_n3A_428, %dma_start3A_436] : memref<26x16x100000xf32, #tpu.memory_space<hbm>> -> memref<1x1x25088xf32, #tpu.memory_space<hbm>>
      %dma_start3A_438 = tpu.memref_squeeze %dma_start3A_437 : memref<1x1x25088xf32, #tpu.memory_space<hbm>> -> memref<25088xf32, #tpu.memory_space<hbm>>
      tpu.enqueue_dma source(%dma_start3A_438 : memref<25088xf32, #tpu.memory_space<hbm>>) target(%dma_start3A_435 : memref<25088xf32, #tpu.memory_space<vmem>>) target_semaphore(%arg10 : memref<!tpu.dma_semaphore, #tpu.memory_space<semaphore_mem>>)
      %add3A_439 = arith.addi %mul3A_2, %scan3A_117 : i32
      %jit3A_440 = arith.constant 16 : i32
      %div3A_441 = arith.divsi %add3A_439, %jit3A_440 : i32
      %sign3A_442 = arith.constant 0 : i32
      %sign3A_443 = arith.cmpi sgt, %add3A_439, %sign3A_442 : i32
      %sign3A_444 = arith.extui %sign3A_443 : i1 to i32
      %sign3A_445 = arith.constant 0 : i32
      %sign3A_446 = arith.cmpi slt, %add3A_439, %sign3A_445 : i32
      %sign3A_447 = arith.extui %sign3A_446 : i1 to i32
      %sign3A_448 = arith.subi %sign3A_444, %sign3A_447 : i32
      %sign3A_449 = arith.constant 0 : i32
      %sign3A_450 = arith.cmpi sgt, %jit3A_440, %sign3A_449 : i32
      %sign3A_451 = arith.extui %sign3A_450 : i1 to i32
      %sign3A_452 = arith.constant 0 : i32
      %sign3A_453 = arith.cmpi slt, %jit3A_440, %sign3A_452 : i32
      %sign3A_454 = arith.extui %sign3A_453 : i1 to i32
      %sign3A_455 = arith.subi %sign3A_451, %sign3A_454 : i32
      %ne3A_456 = arith.cmpi ne, %sign3A_448, %sign3A_455 : i32
      %rem3A_457 = arith.remsi %add3A_439, %jit3A_440 : i32
      %ne3A_458 = arith.constant 0 : i32
      %ne3A_459 = arith.cmpi ne, %rem3A_457, %ne3A_458 : i32
      %and3A_460 = arith.andi %ne3A_456, %ne3A_459 : i1
      %sub3A_461 = arith.constant 1 : i32
      %sub3A_462 = arith.subi %div3A_441, %sub3A_461 : i32
      %select_n3A_463 = arith.select %and3A_460, %sub3A_462, %div3A_441 : i32
      %jit3A_464 = arith.constant 16 : i32
      %eq3A_465 = arith.constant 0 : i32
      %eq3A_466 = arith.cmpi eq, %jit3A_464, %eq3A_465 : i32
      %jit3A_467 = arith.constant 1 : i32
      %select_n3A_468 = arith.select %eq3A_466, %jit3A_467, %jit3A_464 : i32
      %rem3A_469 = arith.remsi %add3A_439, %select_n3A_468 : i32
      %ne3A_470 = arith.constant 0 : i32
      %ne3A_471 = arith.cmpi ne, %rem3A_469, %ne3A_470 : i32
      %lt3A_472 = arith.constant 0 : i32
      %lt3A_473 = arith.cmpi slt, %rem3A_469, %lt3A_472 : i32
      %lt3A_474 = arith.constant 0 : i32
      %lt3A_475 = arith.cmpi slt, %select_n3A_468, %lt3A_474 : i32
      %ne3A_476 = arith.xori %lt3A_473, %lt3A_475 : i1
      %and3A_477 = arith.andi %ne3A_476, %ne3A_471 : i1
      %add3A_478 = arith.addi %rem3A_469, %select_n3A_468 : i32
      %select_n3A_479 = arith.select %and3A_477, %add3A_478, %rem3A_469 : i32
      %dma_start3A_480 = arith.constant 50176 : i32
      %dma_start3A_481 = tpu.memref_slice %arg6[%dma_start3A_480] : memref<50304xf32, #tpu.memory_space<vmem>> -> memref<128xf32, #tpu.memory_space<vmem>>
      %dma_start3A_482 = arith.constant 0 : i32
      %dma_start3A_483 = tpu.memref_slice %arg3[%select_n3A_463, %select_n3A_479, %dma_start3A_482] : memref<26x16x128xf32, #tpu.memory_space<hbm>> -> memref<1x1x128xf32, #tpu.memory_space<hbm>>
      %dma_start3A_484 = tpu.memref_squeeze %dma_start3A_483 : memref<1x1x128xf32, #tpu.memory_space<hbm>> -> memref<128xf32, #tpu.memory_space<hbm>>
      %dma_start3A_485 = arith.constant 50176 : i32
      %dma_start3A_486 = tpu.memref_slice %arg6[%dma_start3A_485] : memref<50304xf32, #tpu.memory_space<vmem>> -> memref<128xf32, #tpu.memory_space<vmem>>
      %dma_start3A_487 = arith.constant 0 : i32
      %dma_start3A_488 = tpu.memref_slice %arg3[%select_n3A_463, %select_n3A_479, %dma_start3A_487] : memref<26x16x128xf32, #tpu.memory_space<hbm>> -> memref<1x1x128xf32, #tpu.memory_space<hbm>>
      %dma_start3A_489 = tpu.memref_squeeze %dma_start3A_488 : memref<1x1x128xf32, #tpu.memory_space<hbm>> -> memref<128xf32, #tpu.memory_space<hbm>>
      tpu.enqueue_dma source(%dma_start3A_489 : memref<128xf32, #tpu.memory_space<hbm>>) target(%dma_start3A_486 : memref<128xf32, #tpu.memory_space<vmem>>) target_semaphore(%arg11 : memref<!tpu.dma_semaphore, #tpu.memory_space<semaphore_mem>>)
      %add3A_490 = arith.addi %mul3A_2, %scan3A_117 : i32
      %jit3A_491 = arith.constant 16 : i32
      %div3A_492 = arith.divsi %add3A_490, %jit3A_491 : i32
      %sign3A_493 = arith.constant 0 : i32
      %sign3A_494 = arith.cmpi sgt, %add3A_490, %sign3A_493 : i32
      %sign3A_495 = arith.extui %sign3A_494 : i1 to i32
      %sign3A_496 = arith.constant 0 : i32
      %sign3A_497 = arith.cmpi slt, %add3A_490, %sign3A_496 : i32
      %sign3A_498 = arith.extui %sign3A_497 : i1 to i32
      %sign3A_499 = arith.subi %sign3A_495, %sign3A_498 : i32
      %sign3A_500 = arith.constant 0 : i32
      %sign3A_501 = arith.cmpi sgt, %jit3A_491, %sign3A_500 : i32
      %sign3A_502 = arith.extui %sign3A_501 : i1 to i32
      %sign3A_503 = arith.constant 0 : i32
      %sign3A_504 = arith.cmpi slt, %jit3A_491, %sign3A_503 : i32
      %sign3A_505 = arith.extui %sign3A_504 : i1 to i32
      %sign3A_506 = arith.subi %sign3A_502, %sign3A_505 : i32
      %ne3A_507 = arith.cmpi ne, %sign3A_499, %sign3A_506 : i32
      %rem3A_508 = arith.remsi %add3A_490, %jit3A_491 : i32
      %ne3A_509 = arith.constant 0 : i32
      %ne3A_510 = arith.cmpi ne, %rem3A_508, %ne3A_509 : i32
      %and3A_511 = arith.andi %ne3A_507, %ne3A_510 : i1
      %sub3A_512 = arith.constant 1 : i32
      %sub3A_513 = arith.subi %div3A_492, %sub3A_512 : i32
      %select_n3A_514 = arith.select %and3A_511, %sub3A_513, %div3A_492 : i32
      %jit3A_515 = arith.constant 16 : i32
      %eq3A_516 = arith.constant 0 : i32
      %eq3A_517 = arith.cmpi eq, %jit3A_515, %eq3A_516 : i32
      %jit3A_518 = arith.constant 1 : i32
      %select_n3A_519 = arith.select %eq3A_517, %jit3A_518, %jit3A_515 : i32
      %rem3A_520 = arith.remsi %add3A_490, %select_n3A_519 : i32
      %ne3A_521 = arith.constant 0 : i32
      %ne3A_522 = arith.cmpi ne, %rem3A_520, %ne3A_521 : i32
      %lt3A_523 = arith.constant 0 : i32
      %lt3A_524 = arith.cmpi slt, %rem3A_520, %lt3A_523 : i32
      %lt3A_525 = arith.constant 0 : i32
      %lt3A_526 = arith.cmpi slt, %select_n3A_519, %lt3A_525 : i32
      %ne3A_527 = arith.xori %lt3A_524, %lt3A_526 : i1
      %and3A_528 = arith.andi %ne3A_527, %ne3A_522 : i1
      %add3A_529 = arith.addi %rem3A_520, %select_n3A_519 : i32
      %select_n3A_530 = arith.select %and3A_528, %add3A_529, %rem3A_520 : i32
      %dma_wait3A_531 = arith.constant 0 : i32
      %dma_wait3A_532 = tpu.memref_slice %arg6[%dma_wait3A_531] : memref<50304xf32, #tpu.memory_space<vmem>> -> memref<25088xf32, #tpu.memory_space<vmem>>
      %dma_wait3A_533 = arith.constant 50176 : i32
      %dma_wait3A_534 = tpu.memref_slice %arg2[%select_n3A_514, %select_n3A_530, %dma_wait3A_533] : memref<26x16x100000xf32, #tpu.memory_space<hbm>> -> memref<1x1x25088xf32, #tpu.memory_space<hbm>>
      %dma_wait3A_535 = tpu.memref_squeeze %dma_wait3A_534 : memref<1x1x25088xf32, #tpu.memory_space<hbm>> -> memref<25088xf32, #tpu.memory_space<hbm>>
      %dma_wait3A_536 = arith.constant 0 : i32
      %dma_wait3A_537 = tpu.memref_slice %arg6[%dma_wait3A_536] : memref<50304xf32, #tpu.memory_space<vmem>> -> memref<25088xf32, #tpu.memory_space<vmem>>
      %dma_wait3A_538 = arith.constant 50176 : i32
      %dma_wait3A_539 = tpu.memref_slice %arg2[%select_n3A_514, %select_n3A_530, %dma_wait3A_538] : memref<26x16x100000xf32, #tpu.memory_space<hbm>> -> memref<1x1x25088xf32, #tpu.memory_space<hbm>>
      %dma_wait3A_540 = tpu.memref_squeeze %dma_wait3A_539 : memref<1x1x25088xf32, #tpu.memory_space<hbm>> -> memref<25088xf32, #tpu.memory_space<hbm>>
      tpu.wait_dma2 semaphore(%arg9 : memref<!tpu.dma_semaphore, #tpu.memory_space<semaphore_mem>>) src(%dma_wait3A_540 : memref<25088xf32, #tpu.memory_space<hbm>>) dst(%dma_wait3A_537 : memref<25088xf32, #tpu.memory_space<vmem>>)
      %parallel_loop3A_541 = arith.constant 0 : i32
      %parallel_loop3A_542 = arith.constant 1024 : i32
      %parallel_loop3A_543 = arith.constant 1 : i32
      scf.for %parallel_loop3A_666 = %parallel_loop3A_541 to %parallel_loop3A_542 step %parallel_loop3A_543  : i32 {
        %parallel_loop3A_667 = arith.constant 16 : i32
        %parallel_loop3A_668 = arith.muli %parallel_loop3A_666, %parallel_loop3A_667 : i32
        %parallel_loop3A_669 = arith.addi %mul3A_121, %parallel_loop3A_668 : i32
        %parallel_loop3A_670 = arith.index_cast %parallel_loop3A_669 : i32 to index
        %parallel_loop3A_671 = tpu.vector_load %arg7[%parallel_loop3A_670] {strides = array<i32>} : memref<32768xi32, #tpu.memory_space<vmem>>, vector<16xi32>,
        %parallel_loop3A_672 = arith.constant 50176 : i32
        %parallel_loop3A_673 = vector.broadcast %parallel_loop3A_672 : i32 to vector<16xi32>
        %parallel_loop3A_674 = arith.subi %parallel_loop3A_671, %parallel_loop3A_673 : vector<16xi32>
        %parallel_loop3A_675 = arith.constant 0 : i32
        %parallel_loop3A_676 = arith.constant 25087 : i32
        %parallel_loop3A_677 = vector.broadcast %parallel_loop3A_675 : i32 to vector<16xi32>
        %parallel_loop3A_678 = arith.maxsi %parallel_loop3A_677, %parallel_loop3A_674 : vector<16xi32>
        %parallel_loop3A_679 = vector.broadcast %parallel_loop3A_676 : i32 to vector<16xi32>
        %parallel_loop3A_680 = arith.minsi %parallel_loop3A_679, %parallel_loop3A_678 : vector<16xi32>
        %parallel_loop3A_681 = arith.constant 0 : i32
        %parallel_loop3A_682 = vector.broadcast %parallel_loop3A_681 : i32 to vector<16xi32>
        %parallel_loop3A_683 = arith.addi %parallel_loop3A_680, %parallel_loop3A_682 : vector<16xi32>
        %parallel_loop3A_684 = tpu.vector_load_idx %arg6[%parallel_loop3A_683] : memref<50304xf32, #tpu.memory_space<vmem>>[vector<16xi32>], vector<16xf32>,
        %parallel_loop3A_685 = arith.constant 50176 : i32
        %parallel_loop3A_686 = vector.broadcast %parallel_loop3A_685 : i32 to vector<16xi32>
        %parallel_loop3A_687 = arith.cmpi sge, %parallel_loop3A_671, %parallel_loop3A_686 : vector<16xi32>
        %parallel_loop3A_688 = arith.constant 75264 : i32
        %parallel_loop3A_689 = vector.broadcast %parallel_loop3A_688 : i32 to vector<16xi32>
        %parallel_loop3A_690 = arith.cmpi slt, %parallel_loop3A_671, %parallel_loop3A_689 : vector<16xi32>
        %parallel_loop3A_691 = arith.andi %parallel_loop3A_687, %parallel_loop3A_690 : vector<16xi1>
        %parallel_loop3A_692 = tpu.iota {dimensions = array<i32: 0>} : vector<16xi32>
        %parallel_loop3A_693 = vector.broadcast %parallel_loop3A_669 : i32 to vector<16xi32>
        %parallel_loop3A_694 = arith.addi %parallel_loop3A_693, %parallel_loop3A_692 : vector<16xi32>
        tpu.vector_store_idx %arg8[%parallel_loop3A_694], %parallel_loop3A_684 masked %parallel_loop3A_691 : memref<32768xf32, #tpu.memory_space<vmem>>[vector<16xi32>], vector<16xf32>, vector<16xi1>
      } {sc.loop_unroll_factor = 8 : i64, sc.parallel_access}
      %add3A_544 = arith.constant 1 : i32
      %add3A_545 = arith.addi %scan3A_117, %add3A_544 : i32
      %lt3A_546 = arith.constant 13 : i32
      %lt3A_547 = arith.cmpi slt, %add3A_545, %lt3A_546 : i32
      %convert_element_type3A_548 = arith.extui %lt3A_547 : i1 to i32
      %cond3A_549 = arith.constant 0 : i32
      %cond3A_550 = arith.cmpi ne, %convert_element_type3A_548, %cond3A_549 : i32
      scf.if %cond3A_550 {
        %add3A_666 = arith.constant 1 : i32
        %add3A_667 = arith.addi %scan3A_117, %add3A_666 : i32
        %add3A_668 = arith.addi %mul3A_2, %add3A_667 : i32
        %jit3A_669 = arith.constant 16 : i32
        %div3A_670 = arith.divsi %add3A_668, %jit3A_669 : i32
        %sign3A_671 = arith.constant 0 : i32
        %sign3A_672 = arith.cmpi sgt, %add3A_668, %sign3A_671 : i32
        %sign3A_673 = arith.extui %sign3A_672 : i1 to i32
        %sign3A_674 = arith.constant 0 : i32
        %sign3A_675 = arith.cmpi slt, %add3A_668, %sign3A_674 : i32
        %sign3A_676 = arith.extui %sign3A_675 : i1 to i32
        %sign3A_677 = arith.subi %sign3A_673, %sign3A_676 : i32
        %sign3A_678 = arith.constant 0 : i32
        %sign3A_679 = arith.cmpi sgt, %jit3A_669, %sign3A_678 : i32
        %sign3A_680 = arith.extui %sign3A_679 : i1 to i32
        %sign3A_681 = arith.constant 0 : i32
        %sign3A_682 = arith.cmpi slt, %jit3A_669, %sign3A_681 : i32
        %sign3A_683 = arith.extui %sign3A_682 : i1 to i32
        %sign3A_684 = arith.subi %sign3A_680, %sign3A_683 : i32
        %ne3A_685 = arith.cmpi ne, %sign3A_677, %sign3A_684 : i32
        %rem3A_686 = arith.remsi %add3A_668, %jit3A_669 : i32
        %ne3A_687 = arith.constant 0 : i32
        %ne3A_688 = arith.cmpi ne, %rem3A_686, %ne3A_687 : i32
        %and3A_689 = arith.andi %ne3A_685, %ne3A_688 : i1
        %sub3A_690 = arith.constant 1 : i32
        %sub3A_691 = arith.subi %div3A_670, %sub3A_690 : i32
        %select_n3A_692 = arith.select %and3A_689, %sub3A_691, %div3A_670 : i32
        %jit3A_693 = arith.constant 16 : i32
        %eq3A_694 = arith.constant 0 : i32
        %eq3A_695 = arith.cmpi eq, %jit3A_693, %eq3A_694 : i32
        %jit3A_696 = arith.constant 1 : i32
        %select_n3A_697 = arith.select %eq3A_695, %jit3A_696, %jit3A_693 : i32
        %rem3A_698 = arith.remsi %add3A_668, %select_n3A_697 : i32
        %ne3A_699 = arith.constant 0 : i32
        %ne3A_700 = arith.cmpi ne, %rem3A_698, %ne3A_699 : i32
        %lt3A_701 = arith.constant 0 : i32
        %lt3A_702 = arith.cmpi slt, %rem3A_698, %lt3A_701 : i32
        %lt3A_703 = arith.constant 0 : i32
        %lt3A_704 = arith.cmpi slt, %select_n3A_697, %lt3A_703 : i32
        %ne3A_705 = arith.xori %lt3A_702, %lt3A_704 : i1
        %and3A_706 = arith.andi %ne3A_705, %ne3A_700 : i1
        %add3A_707 = arith.addi %rem3A_698, %select_n3A_697 : i32
        %select_n3A_708 = arith.select %and3A_706, %add3A_707, %rem3A_698 : i32
        %dma_start3A_709 = arith.constant 0 : i32
        %dma_start3A_710 = tpu.memref_slice %arg6[%dma_start3A_709] : memref<50304xf32, #tpu.memory_space<vmem>> -> memref<25088xf32, #tpu.memory_space<vmem>>
        %dma_start3A_711 = arith.constant 0 : i32
        %dma_start3A_712 = tpu.memref_slice %arg2[%select_n3A_692, %select_n3A_708, %dma_start3A_711] : memref<26x16x100000xf32, #tpu.memory_space<hbm>> -> memref<1x1x25088xf32, #tpu.memory_space<hbm>>
        %dma_start3A_713 = tpu.memref_squeeze %dma_start3A_712 : memref<1x1x25088xf32, #tpu.memory_space<hbm>> -> memref<25088xf32, #tpu.memory_space<hbm>>
        %dma_start3A_714 = arith.constant 0 : i32
        %dma_start3A_715 = tpu.memref_slice %arg6[%dma_start3A_714] : memref<50304xf32, #tpu.memory_space<vmem>> -> memref<25088xf32, #tpu.memory_space<vmem>>
        %dma_start3A_716 = arith.constant 0 : i32
        %dma_start3A_717 = tpu.memref_slice %arg2[%select_n3A_692, %select_n3A_708, %dma_start3A_716] : memref<26x16x100000xf32, #tpu.memory_space<hbm>> -> memref<1x1x25088xf32, #tpu.memory_space<hbm>>
        %dma_start3A_718 = tpu.memref_squeeze %dma_start3A_717 : memref<1x1x25088xf32, #tpu.memory_space<hbm>> -> memref<25088xf32, #tpu.memory_space<hbm>>
        tpu.enqueue_dma source(%dma_start3A_718 : memref<25088xf32, #tpu.memory_space<hbm>>) target(%dma_start3A_715 : memref<25088xf32, #tpu.memory_space<vmem>>) target_semaphore(%arg9 : memref<!tpu.dma_semaphore, #tpu.memory_space<semaphore_mem>>)
      } else {
      }
      %add3A_551 = arith.addi %mul3A_2, %scan3A_117 : i32
      %jit3A_552 = arith.constant 16 : i32
      %div3A_553 = arith.divsi %add3A_551, %jit3A_552 : i32
      %sign3A_554 = arith.constant 0 : i32
      %sign3A_555 = arith.cmpi sgt, %add3A_551, %sign3A_554 : i32
      %sign3A_556 = arith.extui %sign3A_555 : i1 to i32
      %sign3A_557 = arith.constant 0 : i32
      %sign3A_558 = arith.cmpi slt, %add3A_551, %sign3A_557 : i32
      %sign3A_559 = arith.extui %sign3A_558 : i1 to i32
      %sign3A_560 = arith.subi %sign3A_556, %sign3A_559 : i32
      %sign3A_561 = arith.constant 0 : i32
      %sign3A_562 = arith.cmpi sgt, %jit3A_552, %sign3A_561 : i32
      %sign3A_563 = arith.extui %sign3A_562 : i1 to i32
      %sign3A_564 = arith.constant 0 : i32
      %sign3A_565 = arith.cmpi slt, %jit3A_552, %sign3A_564 : i32
      %sign3A_566 = arith.extui %sign3A_565 : i1 to i32
      %sign3A_567 = arith.subi %sign3A_563, %sign3A_566 : i32
      %ne3A_568 = arith.cmpi ne, %sign3A_560, %sign3A_567 : i32
      %rem3A_569 = arith.remsi %add3A_551, %jit3A_552 : i32
      %ne3A_570 = arith.constant 0 : i32
      %ne3A_571 = arith.cmpi ne, %rem3A_569, %ne3A_570 : i32
      %and3A_572 = arith.andi %ne3A_568, %ne3A_571 : i1
      %sub3A_573 = arith.constant 1 : i32
      %sub3A_574 = arith.subi %div3A_553, %sub3A_573 : i32
      %select_n3A_575 = arith.select %and3A_572, %sub3A_574, %div3A_553 : i32
      %jit3A_576 = arith.constant 16 : i32
      %eq3A_577 = arith.constant 0 : i32
      %eq3A_578 = arith.cmpi eq, %jit3A_576, %eq3A_577 : i32
      %jit3A_579 = arith.constant 1 : i32
      %select_n3A_580 = arith.select %eq3A_578, %jit3A_579, %jit3A_576 : i32
      %rem3A_581 = arith.remsi %add3A_551, %select_n3A_580 : i32
      %ne3A_582 = arith.constant 0 : i32
      %ne3A_583 = arith.cmpi ne, %rem3A_581, %ne3A_582 : i32
      %lt3A_584 = arith.constant 0 : i32
      %lt3A_585 = arith.cmpi slt, %rem3A_581, %lt3A_584 : i32
      %lt3A_586 = arith.constant 0 : i32
      %lt3A_587 = arith.cmpi slt, %select_n3A_580, %lt3A_586 : i32
      %ne3A_588 = arith.xori %lt3A_585, %lt3A_587 : i1
      %and3A_589 = arith.andi %ne3A_588, %ne3A_583 : i1
      %add3A_590 = arith.addi %rem3A_581, %select_n3A_580 : i32
      %select_n3A_591 = arith.select %and3A_589, %add3A_590, %rem3A_581 : i32
      %dma_wait3A_592 = arith.constant 25088 : i32
      %dma_wait3A_593 = tpu.memref_slice %arg6[%dma_wait3A_592] : memref<50304xf32, #tpu.memory_space<vmem>> -> memref<25088xf32, #tpu.memory_space<vmem>>
      %dma_wait3A_594 = arith.constant 74880 : i32
      %dma_wait3A_595 = tpu.memref_slice %arg2[%select_n3A_575, %select_n3A_591, %dma_wait3A_594] : memref<26x16x100000xf32, #tpu.memory_space<hbm>> -> memref<1x1x25088xf32, #tpu.memory_space<hbm>>
      %dma_wait3A_596 = tpu.memref_squeeze %dma_wait3A_595 : memref<1x1x25088xf32, #tpu.memory_space<hbm>> -> memref<25088xf32, #tpu.memory_space<hbm>>
      %dma_wait3A_597 = arith.constant 25088 : i32
      %dma_wait3A_598 = tpu.memref_slice %arg6[%dma_wait3A_597] : memref<50304xf32, #tpu.memory_space<vmem>> -> memref<25088xf32, #tpu.memory_space<vmem>>
      %dma_wait3A_599 = arith.constant 74880 : i32
      %dma_wait3A_600 = tpu.memref_slice %arg2[%select_n3A_575, %select_n3A_591, %dma_wait3A_599] : memref<26x16x100000xf32, #tpu.memory_space<hbm>> -> memref<1x1x25088xf32, #tpu.memory_space<hbm>>
      %dma_wait3A_601 = tpu.memref_squeeze %dma_wait3A_600 : memref<1x1x25088xf32, #tpu.memory_space<hbm>> -> memref<25088xf32, #tpu.memory_space<hbm>>
      tpu.wait_dma2 semaphore(%arg10 : memref<!tpu.dma_semaphore, #tpu.memory_space<semaphore_mem>>) src(%dma_wait3A_601 : memref<25088xf32, #tpu.memory_space<hbm>>) dst(%dma_wait3A_598 : memref<25088xf32, #tpu.memory_space<vmem>>)
      %add3A_602 = arith.addi %mul3A_2, %scan3A_117 : i32
      %jit3A_603 = arith.constant 16 : i32
      %div3A_604 = arith.divsi %add3A_602, %jit3A_603 : i32
      %sign3A_605 = arith.constant 0 : i32
      %sign3A_606 = arith.cmpi sgt, %add3A_602, %sign3A_605 : i32
      %sign3A_607 = arith.extui %sign3A_606 : i1 to i32
      %sign3A_608 = arith.constant 0 : i32
      %sign3A_609 = arith.cmpi slt, %add3A_602, %sign3A_608 : i32
      %sign3A_610 = arith.extui %sign3A_609 : i1 to i32
      %sign3A_611 = arith.subi %sign3A_607, %sign3A_610 : i32
      %sign3A_612 = arith.constant 0 : i32
      %sign3A_613 = arith.cmpi sgt, %jit3A_603, %sign3A_612 : i32
      %sign3A_614 = arith.extui %sign3A_613 : i1 to i32
      %sign3A_615 = arith.constant 0 : i32
      %sign3A_616 = arith.cmpi slt, %jit3A_603, %sign3A_615 : i32
      %sign3A_617 = arith.extui %sign3A_616 : i1 to i32
      %sign3A_618 = arith.subi %sign3A_614, %sign3A_617 : i32
      %ne3A_619 = arith.cmpi ne, %sign3A_611, %sign3A_618 : i32
      %rem3A_620 = arith.remsi %add3A_602, %jit3A_603 : i32
      %ne3A_621 = arith.constant 0 : i32
      %ne3A_622 = arith.cmpi ne, %rem3A_620, %ne3A_621 : i32
      %and3A_623 = arith.andi %ne3A_619, %ne3A_622 : i1
      %sub3A_624 = arith.constant 1 : i32
      %sub3A_625 = arith.subi %div3A_604, %sub3A_624 : i32
      %select_n3A_626 = arith.select %and3A_623, %sub3A_625, %div3A_604 : i32
      %jit3A_627 = arith.constant 16 : i32
      %eq3A_628 = arith.constant 0 : i32
      %eq3A_629 = arith.cmpi eq, %jit3A_627, %eq3A_628 : i32
      %jit3A_630 = arith.constant 1 : i32
      %select_n3A_631 = arith.select %eq3A_629, %jit3A_630, %jit3A_627 : i32
      %rem3A_632 = arith.remsi %add3A_602, %select_n3A_631 : i32
      %ne3A_633 = arith.constant 0 : i32
      %ne3A_634 = arith.cmpi ne, %rem3A_632, %ne3A_633 : i32
      %lt3A_635 = arith.constant 0 : i32
      %lt3A_636 = arith.cmpi slt, %rem3A_632, %lt3A_635 : i32
      %lt3A_637 = arith.constant 0 : i32
      %lt3A_638 = arith.cmpi slt, %select_n3A_631, %lt3A_637 : i32
      %ne3A_639 = arith.xori %lt3A_636, %lt3A_638 : i1
      %and3A_640 = arith.andi %ne3A_639, %ne3A_634 : i1
      %add3A_641 = arith.addi %rem3A_632, %select_n3A_631 : i32
      %select_n3A_642 = arith.select %and3A_640, %add3A_641, %rem3A_632 : i32
      %dma_wait3A_643 = arith.constant 50176 : i32
      %dma_wait3A_644 = tpu.memref_slice %arg6[%dma_wait3A_643] : memref<50304xf32, #tpu.memory_space<vmem>> -> memref<128xf32, #tpu.memory_space<vmem>>
      %dma_wait3A_645 = arith.constant 0 : i32
      %dma_wait3A_646 = tpu.memref_slice %arg3[%select_n3A_626, %select_n3A_642, %dma_wait3A_645] : memref<26x16x128xf32, #tpu.memory_space<hbm>> -> memref<1x1x128xf32, #tpu.memory_space<hbm>>
      %dma_wait3A_647 = tpu.memref_squeeze %dma_wait3A_646 : memref<1x1x128xf32, #tpu.memory_space<hbm>> -> memref<128xf32, #tpu.memory_space<hbm>>
      %dma_wait3A_648 = arith.constant 50176 : i32
      %dma_wait3A_649 = tpu.memref_slice %arg6[%dma_wait3A_648] : memref<50304xf32, #tpu.memory_space<vmem>> -> memref<128xf32, #tpu.memory_space<vmem>>
      %dma_wait3A_650 = arith.constant 0 : i32
      %dma_wait3A_651 = tpu.memref_slice %arg3[%select_n3A_626, %select_n3A_642, %dma_wait3A_650] : memref<26x16x128xf32, #tpu.memory_space<hbm>> -> memref<1x1x128xf32, #tpu.memory_space<hbm>>
      %dma_wait3A_652 = tpu.memref_squeeze %dma_wait3A_651 : memref<1x1x128xf32, #tpu.memory_space<hbm>> -> memref<128xf32, #tpu.memory_space<hbm>>
      tpu.wait_dma2 semaphore(%arg11 : memref<!tpu.dma_semaphore, #tpu.memory_space<semaphore_mem>>) src(%dma_wait3A_652 : memref<128xf32, #tpu.memory_space<hbm>>) dst(%dma_wait3A_649 : memref<128xf32, #tpu.memory_space<vmem>>)
      %parallel_loop3A_653 = arith.constant 0 : i32
      %parallel_loop3A_654 = arith.constant 1024 : i32
      %parallel_loop3A_655 = arith.constant 1 : i32
      scf.for %parallel_loop3A_666 = %parallel_loop3A_653 to %parallel_loop3A_654 step %parallel_loop3A_655  : i32 {
        %parallel_loop3A_667 = arith.constant 16 : i32
        %parallel_loop3A_668 = arith.muli %parallel_loop3A_666, %parallel_loop3A_667 : i32
        %parallel_loop3A_669 = arith.addi %mul3A_121, %parallel_loop3A_668 : i32
        %parallel_loop3A_670 = arith.index_cast %parallel_loop3A_669 : i32 to index
        %parallel_loop3A_671 = tpu.vector_load %arg7[%parallel_loop3A_670] {strides = array<i32>} : memref<32768xi32, #tpu.memory_space<vmem>>, vector<16xi32>,
        %parallel_loop3A_672 = arith.constant 74880 : i32
        %parallel_loop3A_673 = vector.broadcast %parallel_loop3A_672 : i32 to vector<16xi32>
        %parallel_loop3A_674 = arith.subi %parallel_loop3A_671, %parallel_loop3A_673 : vector<16xi32>
        %parallel_loop3A_675 = arith.constant 0 : i32
        %parallel_loop3A_676 = arith.constant 25119 : i32
        %parallel_loop3A_677 = vector.broadcast %parallel_loop3A_675 : i32 to vector<16xi32>
        %parallel_loop3A_678 = arith.maxsi %parallel_loop3A_677, %parallel_loop3A_674 : vector<16xi32>
        %parallel_loop3A_679 = vector.broadcast %parallel_loop3A_676 : i32 to vector<16xi32>
        %parallel_loop3A_680 = arith.minsi %parallel_loop3A_679, %parallel_loop3A_678 : vector<16xi32>
        %parallel_loop3A_681 = arith.constant 25088 : i32
        %parallel_loop3A_682 = vector.broadcast %parallel_loop3A_681 : i32 to vector<16xi32>
        %parallel_loop3A_683 = arith.addi %parallel_loop3A_680, %parallel_loop3A_682 : vector<16xi32>
        %parallel_loop3A_684 = tpu.vector_load_idx %arg6[%parallel_loop3A_683] : memref<50304xf32, #tpu.memory_space<vmem>>[vector<16xi32>], vector<16xf32>,
        %parallel_loop3A_685 = arith.constant 75264 : i32
        %parallel_loop3A_686 = vector.broadcast %parallel_loop3A_685 : i32 to vector<16xi32>
        %parallel_loop3A_687 = arith.cmpi sge, %parallel_loop3A_671, %parallel_loop3A_686 : vector<16xi32>
        %parallel_loop3A_688 = arith.constant 100000 : i32
        %parallel_loop3A_689 = vector.broadcast %parallel_loop3A_688 : i32 to vector<16xi32>
        %parallel_loop3A_690 = arith.cmpi slt, %parallel_loop3A_671, %parallel_loop3A_689 : vector<16xi32>
        %parallel_loop3A_691 = arith.andi %parallel_loop3A_687, %parallel_loop3A_690 : vector<16xi1>
        %parallel_loop3A_692 = tpu.iota {dimensions = array<i32: 0>} : vector<16xi32>
        %parallel_loop3A_693 = vector.broadcast %parallel_loop3A_669 : i32 to vector<16xi32>
        %parallel_loop3A_694 = arith.addi %parallel_loop3A_693, %parallel_loop3A_692 : vector<16xi32>
        tpu.vector_store_idx %arg8[%parallel_loop3A_694], %parallel_loop3A_684 masked %parallel_loop3A_691 : memref<32768xf32, #tpu.memory_space<vmem>>[vector<16xi32>], vector<16xf32>, vector<16xi1>
      } {sc.loop_unroll_factor = 8 : i64, sc.parallel_access}
      %eq3A_656 = arith.constant 0 : i32
      %eq3A_657 = arith.cmpi eq, %rem3A_119, %eq3A_656 : i32
      %convert_element_type3A_658 = arith.extui %eq3A_657 : i1 to i32
      %cond3A_659 = arith.constant 0 : i32
      %cond3A_660 = arith.cmpi ne, %convert_element_type3A_658, %cond3A_659 : i32
      scf.if %cond3A_660 {
        %rem3A_666 = arith.constant 2 : i32
        %rem3A_667 = arith.remsi %scan3A_117, %rem3A_666 : i32
        %mul3A_668 = arith.constant 16384 : i32
        %mul3A_669 = arith.muli %rem3A_667, %mul3A_668 : i32
        %add3A_670 = arith.addi %mul3A_2, %scan3A_117 : i32
        %dma_start3A_671 = tpu.memref_slice %arg8[%mul3A_669] : memref<32768xf32, #tpu.memory_space<vmem>> -> memref<16384xf32, #tpu.memory_space<vmem>>
        %dma_start3A_672 = arith.constant 0 : i32
        %dma_start3A_673 = tpu.memref_slice %arg5[%add3A_670, %dma_start3A_672] : memref<416x16384xf32, #tpu.memory_space<hbm>> -> memref<1x16384xf32, #tpu.memory_space<hbm>>
        %dma_start3A_674 = tpu.memref_squeeze %dma_start3A_673 : memref<1x16384xf32, #tpu.memory_space<hbm>> -> memref<16384xf32, #tpu.memory_space<hbm>>
        %dma_start3A_675 = arith.constant 0 : i32
        %dma_start3A_676 = tpu.memref_slice %arg5[%add3A_670, %dma_start3A_675] : memref<416x16384xf32, #tpu.memory_space<hbm>> -> memref<1x16384xf32, #tpu.memory_space<hbm>>
        %dma_start3A_677 = tpu.memref_squeeze %dma_start3A_676 : memref<1x16384xf32, #tpu.memory_space<hbm>> -> memref<16384xf32, #tpu.memory_space<hbm>>
        %dma_start3A_678 = tpu.memref_slice %arg8[%mul3A_669] : memref<32768xf32, #tpu.memory_space<vmem>> -> memref<16384xf32, #tpu.memory_space<vmem>>
        tpu.enqueue_dma source(%dma_start3A_678 : memref<16384xf32, #tpu.memory_space<vmem>>) target(%dma_start3A_677 : memref<16384xf32, #tpu.memory_space<hbm>>) target_semaphore(%arg13 : memref<!tpu.dma_semaphore, #tpu.memory_space<semaphore_mem>>)
      } else {
      }
      %eq3A_661 = arith.constant 1 : i32
      %eq3A_662 = arith.cmpi eq, %rem3A_119, %eq3A_661 : i32
      %convert_element_type3A_663 = arith.extui %eq3A_662 : i1 to i32
      %cond3A_664 = arith.constant 0 : i32
      %cond3A_665 = arith.cmpi ne, %convert_element_type3A_663, %cond3A_664 : i32
      scf.if %cond3A_665 {
        %rem3A_666 = arith.constant 2 : i32
        %rem3A_667 = arith.remsi %scan3A_117, %rem3A_666 : i32
        %mul3A_668 = arith.constant 16384 : i32
        %mul3A_669 = arith.muli %rem3A_667, %mul3A_668 : i32
        %add3A_670 = arith.addi %mul3A_2, %scan3A_117 : i32
        %dma_start3A_671 = tpu.memref_slice %arg8[%mul3A_669] : memref<32768xf32, #tpu.memory_space<vmem>> -> memref<16384xf32, #tpu.memory_space<vmem>>
        %dma_start3A_672 = arith.constant 0 : i32
        %dma_start3A_673 = tpu.memref_slice %arg5[%add3A_670, %dma_start3A_672] : memref<416x16384xf32, #tpu.memory_space<hbm>> -> memref<1x16384xf32, #tpu.memory_space<hbm>>
        %dma_start3A_674 = tpu.memref_squeeze %dma_start3A_673 : memref<1x16384xf32, #tpu.memory_space<hbm>> -> memref<16384xf32, #tpu.memory_space<hbm>>
        %dma_start3A_675 = arith.constant 0 : i32
        %dma_start3A_676 = tpu.memref_slice %arg5[%add3A_670, %dma_start3A_675] : memref<416x16384xf32, #tpu.memory_space<hbm>> -> memref<1x16384xf32, #tpu.memory_space<hbm>>
        %dma_start3A_677 = tpu.memref_squeeze %dma_start3A_676 : memref<1x16384xf32, #tpu.memory_space<hbm>> -> memref<16384xf32, #tpu.memory_space<hbm>>
        %dma_start3A_678 = tpu.memref_slice %arg8[%mul3A_669] : memref<32768xf32, #tpu.memory_space<vmem>> -> memref<16384xf32, #tpu.memory_space<vmem>>
        tpu.enqueue_dma source(%dma_start3A_678 : memref<16384xf32, #tpu.memory_space<vmem>>) target(%dma_start3A_677 : memref<16384xf32, #tpu.memory_space<hbm>>) target_semaphore(%arg14 : memref<!tpu.dma_semaphore, #tpu.memory_space<semaphore_mem>>)
      } else {
      }
    }
    %scan3A_87 = arith.constant 13 : i32
    %rem3A_88 = arith.constant 0 : i32
    %rem3A_89 = arith.constant 2 : i32
    %rem3A_90 = arith.remsi %rem3A_88, %rem3A_89 : i32
    %mul3A_91 = arith.constant 16384 : i32
    %mul3A_92 = arith.muli %rem3A_90, %mul3A_91 : i32
    %add3A_93 = arith.constant 0 : i32
    %add3A_94 = arith.addi %mul3A_2, %add3A_93 : i32
    %dma_wait3A = tpu.memref_slice %arg8[%mul3A_92] : memref<32768xf32, #tpu.memory_space<vmem>> -> memref<16384xf32, #tpu.memory_space<vmem>>
    %dma_wait3A_95 = arith.constant 0 : i32
    %dma_wait3A_96 = tpu.memref_slice %arg5[%add3A_94, %dma_wait3A_95] : memref<416x16384xf32, #tpu.memory_space<hbm>> -> memref<1x16384xf32, #tpu.memory_space<hbm>>
    %dma_wait3A_97 = tpu.memref_squeeze %dma_wait3A_96 : memref<1x16384xf32, #tpu.memory_space<hbm>> -> memref<16384xf32, #tpu.memory_space<hbm>>
    %dma_wait3A_98 = arith.constant 0 : i32
    %dma_wait3A_99 = tpu.memref_slice %arg5[%add3A_94, %dma_wait3A_98] : memref<416x16384xf32, #tpu.memory_space<hbm>> -> memref<1x16384xf32, #tpu.memory_space<hbm>>
    %dma_wait3A_100 = tpu.memref_squeeze %dma_wait3A_99 : memref<1x16384xf32, #tpu.memory_space<hbm>> -> memref<16384xf32, #tpu.memory_space<hbm>>
    %dma_wait3A_101 = tpu.memref_slice %arg8[%mul3A_92] : memref<32768xf32, #tpu.memory_space<vmem>> -> memref<16384xf32, #tpu.memory_space<vmem>>
    tpu.wait_dma2 semaphore(%arg13 : memref<!tpu.dma_semaphore, #tpu.memory_space<semaphore_mem>>) src(%dma_wait3A_101 : memref<16384xf32, #tpu.memory_space<vmem>>) dst(%dma_wait3A_100 : memref<16384xf32, #tpu.memory_space<hbm>>)
    %rem3A_102 = arith.constant 0 : i32
    %rem3A_103 = arith.constant 2 : i32
    %rem3A_104 = arith.remsi %rem3A_102, %rem3A_103 : i32
    %mul3A_105 = arith.constant 16384 : i32
    %mul3A_106 = arith.muli %rem3A_104, %mul3A_105 : i32
    %add3A_107 = arith.constant 0 : i32
    %add3A_108 = arith.addi %mul3A_2, %add3A_107 : i32
    %dma_wait3A_109 = tpu.memref_slice %arg8[%mul3A_106] : memref<32768xf32, #tpu.memory_space<vmem>> -> memref<16384xf32, #tpu.memory_space<vmem>>
    %dma_wait3A_110 = arith.constant 0 : i32
    %dma_wait3A_111 = tpu.memref_slice %arg5[%add3A_108, %dma_wait3A_110] : memref<416x16384xf32, #tpu.memory_space<hbm>> -> memref<1x16384xf32, #tpu.memory_space<hbm>>
    %dma_wait3A_112 = tpu.memref_squeeze %dma_wait3A_111 : memref<1x16384xf32, #tpu.memory_space<hbm>> -> memref<16384xf32, #tpu.memory_space<hbm>>
    %dma_wait3A_113 = arith.constant 0 : i32
    %dma_wait3A_114 = tpu.memref_slice %arg5[%add3A_108, %dma_wait3A_113] : memref<416x16384xf32, #tpu.memory_space<hbm>> -> memref<1x16384xf32, #tpu.memory_space<hbm>>
    %dma_wait3A_115 = tpu.memref_squeeze %dma_wait3A_114 : memref<1x16384xf32, #tpu.memory_space<hbm>> -> memref<16384xf32, #tpu.memory_space<hbm>>
    %dma_wait3A_116 = tpu.memref_slice %arg8[%mul3A_106] : memref<32768xf32, #tpu.memory_space<vmem>> -> memref<16384xf32, #tpu.memory_space<vmem>>
    tpu.wait_dma2 semaphore(%arg14 : memref<!tpu.dma_semaphore, #tpu.memory_space<semaphore_mem>>) src(%dma_wait3A_116 : memref<16384xf32, #tpu.memory_space<vmem>>) dst(%dma_wait3A_115 : memref<16384xf32, #tpu.memory_space<hbm>>)
    return
  }
}

module attributes {stable_mosaic.version = 14 : i64} {
  func.func @_mlp_body(%arg0: i32, %arg1: memref<13x4096xf32, #tpu.memory_space<vmem>>, %arg2: memref<416x4096xf32, #tpu.memory_space<vmem>>, %arg3: memref<13x256xf32, #tpu.memory_space<vmem>>, %arg4: memref<416x256xf32, #tpu.memory_space<vmem>>, %arg5: memref<1x256xf32, #tpu.memory_space<vmem>>, %arg6: memref<1x256xf32, #tpu.memory_space<vmem>>, %arg7: memref<1x256xf32, #tpu.memory_space<vmem>>, %arg8: memref<256x128xf32, #tpu.memory_space<vmem>>, %arg9: memref<1x128xf32, #tpu.memory_space<vmem>>, %arg10: memref<1x128xf32, #tpu.memory_space<vmem>>, %arg11: memref<1x128xf32, #tpu.memory_space<vmem>>, %arg12: memref<128x3xf32, #tpu.memory_space<vmem>>, %arg13: memref<3x1xf32, #tpu.memory_space<vmem>>, %arg14: memref<3x4096xf32, #tpu.memory_space<vmem>>) attributes {dimension_semantics = [#tpu.dimension_semantics<arbitrary>], iteration_bounds = array<i64: 4>, scalar_prefetch = 0 : i64, scratch_operands = 0 : i64, tpu.core_type = #tpu.core_type<tc>, window_params = [{transform_indices = @transform_0, window_bounds = array<i64: 13, 4096>}, {transform_indices = @transform_1, window_bounds = array<i64: 416, 4096>}, {pipeline_mode = #tpu.pipeline_mode<synchronous>, transform_indices = @transform_2, window_bounds = array<i64: 13, 256>}, {pipeline_mode = #tpu.pipeline_mode<synchronous>, transform_indices = @transform_3, window_bounds = array<i64: 416, 256>}, {pipeline_mode = #tpu.pipeline_mode<synchronous>, transform_indices = @transform_4, window_bounds = array<i64: 1, 256>}, {pipeline_mode = #tpu.pipeline_mode<synchronous>, transform_indices = @transform_5, window_bounds = array<i64: 1, 256>}, {pipeline_mode = #tpu.pipeline_mode<synchronous>, transform_indices = @transform_6, window_bounds = array<i64: 1, 256>}, {pipeline_mode = #tpu.pipeline_mode<synchronous>, transform_indices = @transform_7, window_bounds = array<i64: 256, 128>}, {pipeline_mode = #tpu.pipeline_mode<synchronous>, transform_indices = @transform_8, window_bounds = array<i64: 1, 128>}, {pipeline_mode = #tpu.pipeline_mode<synchronous>, transform_indices = @transform_9, window_bounds = array<i64: 1, 128>}, {pipeline_mode = #tpu.pipeline_mode<synchronous>, transform_indices = @transform_10, window_bounds = array<i64: 1, 128>}, {pipeline_mode = #tpu.pipeline_mode<synchronous>, transform_indices = @transform_11, window_bounds = array<i64: 128, 3>}, {pipeline_mode = #tpu.pipeline_mode<synchronous>, transform_indices = @transform_12, window_bounds = array<i64: 3, 1>}, {transform_indices = @transform_13, window_bounds = array<i64: 3, 4096>}]} {
    %sqrt3A = arith.constant 1.000010e+00 : f32
    %sqrt3A_0 = math.sqrt %sqrt3A : f32
    %div3A = arith.constant 1.000000e+00 : f32
    %div3A_1 = arith.divf %div3A, %sqrt3A_0 : f32
    %get3A = arith.constant 0 : index
    %get3A_2 = arith.constant 0 : index
    %get3A_3 = vector.load %arg1[%get3A, %get3A_2] : memref<13x4096xf32, #tpu.memory_space<vmem>>, vector<13x4096xf32>
    %get3A_4 = arith.constant 0 : index
    %get3A_5 = arith.constant 0 : index
    %get3A_6 = vector.load %arg3[%get3A_4, %get3A_5] : memref<13x256xf32, #tpu.memory_space<vmem>>, vector<13x256xf32>
    %dot_general3A = arith.constant dense<0.000000e+00> : vector<4096x256xf32>
    %dot_general3A_7 = tpu.matmul %get3A_3, %get3A_6, %dot_general3A {dimension_numbers = #tpu.dot_dimension_numbers<[0], [0], [1], [1], [0, 1, 1, 1], [], []>, transpose_lhs_hint = false} : vector<13x4096xf32>, vector<13x256xf32>, vector<4096x256xf32> -> vector<4096x256xf32>
    %get3A_8 = arith.constant 0 : index
    %get3A_9 = arith.constant 0 : index
    %get3A_10 = vector.load %arg2[%get3A_8, %get3A_9] : memref<416x4096xf32, #tpu.memory_space<vmem>>, vector<416x4096xf32>
    %get3A_11 = arith.constant 0 : index
    %get3A_12 = arith.constant 0 : index
    %get3A_13 = vector.load %arg4[%get3A_11, %get3A_12] : memref<416x256xf32, #tpu.memory_space<vmem>>, vector<416x256xf32>
    %dot_general3A_14 = arith.constant dense<0.000000e+00> : vector<4096x256xf32>
    %dot_general3A_15 = tpu.matmul %get3A_10, %get3A_13, %dot_general3A_14 {dimension_numbers = #tpu.dot_dimension_numbers<[0], [0], [1], [1], [0, 1, 1, 1], [], []>, transpose_lhs_hint = false} : vector<416x4096xf32>, vector<416x256xf32>, vector<4096x256xf32> -> vector<4096x256xf32>
    %add3A = arith.addf %dot_general3A_7, %dot_general3A_15 : vector<4096x256xf32>
    %get3A_16 = arith.constant 0 : index
    %get3A_17 = arith.constant 0 : index
    %get3A_18 = vector.load %arg5[%get3A_16, %get3A_17] : memref<1x256xf32, #tpu.memory_space<vmem>>, vector<1x256xf32>
    %add3A_19 = vector.broadcast %get3A_18 : vector<1x256xf32> to vector<4096x256xf32>
    %add3A_20 = arith.addf %add3A, %add3A_19 : vector<4096x256xf32>
    %get3A_21 = arith.constant 0 : index
    %get3A_22 = arith.constant 0 : index
    %get3A_23 = vector.load %arg6[%get3A_21, %get3A_22] : memref<1x256xf32, #tpu.memory_space<vmem>>, vector<1x256xf32>
    %mul3A = vector.broadcast %div3A_1 : f32 to vector<1x256xf32>
    %mul3A_24 = arith.mulf %get3A_23, %mul3A : vector<1x256xf32>
    %mul3A_25 = vector.broadcast %mul3A_24 : vector<1x256xf32> to vector<4096x256xf32>
    %mul3A_26 = arith.mulf %add3A_20, %mul3A_25 : vector<4096x256xf32>
    %get3A_27 = arith.constant 0 : index
    %get3A_28 = arith.constant 0 : index
    %get3A_29 = vector.load %arg7[%get3A_27, %get3A_28] : memref<1x256xf32, #tpu.memory_space<vmem>>, vector<1x256xf32>
    %add3A_30 = vector.broadcast %get3A_29 : vector<1x256xf32> to vector<4096x256xf32>
    %add3A_31 = arith.addf %mul3A_26, %add3A_30 : vector<4096x256xf32>
    %max3A = arith.constant 0.000000e+00 : f32
    %max3A_32 = vector.broadcast %max3A : f32 to vector<4096x256xf32>
    %max3A_33 = arith.maximumf %add3A_31, %max3A_32 : vector<4096x256xf32>
    %get3A_34 = arith.constant 0 : index
    %get3A_35 = arith.constant 0 : index
    %get3A_36 = vector.load %arg8[%get3A_34, %get3A_35] : memref<256x128xf32, #tpu.memory_space<vmem>>, vector<256x128xf32>
    %dot_general3A_37 = arith.constant dense<0.000000e+00> : vector<4096x128xf32>
    %dot_general3A_38 = tpu.matmul %max3A_33, %get3A_36, %dot_general3A_37 {dimension_numbers = #tpu.dot_dimension_numbers<[1], [0], [0], [1], [0, 0, 1, 1], [], []>, transpose_lhs_hint = false} : vector<4096x256xf32>, vector<256x128xf32>, vector<4096x128xf32> -> vector<4096x128xf32>
    %get3A_39 = arith.constant 0 : index
    %get3A_40 = arith.constant 0 : index
    %get3A_41 = vector.load %arg9[%get3A_39, %get3A_40] : memref<1x128xf32, #tpu.memory_space<vmem>>, vector<1x128xf32>
    %add3A_42 = vector.broadcast %get3A_41 : vector<1x128xf32> to vector<4096x128xf32>
    %add3A_43 = arith.addf %dot_general3A_38, %add3A_42 : vector<4096x128xf32>
    %get3A_44 = arith.constant 0 : index
    %get3A_45 = arith.constant 0 : index
    %get3A_46 = vector.load %arg10[%get3A_44, %get3A_45] : memref<1x128xf32, #tpu.memory_space<vmem>>, vector<1x128xf32>
    %mul3A_47 = vector.broadcast %div3A_1 : f32 to vector<1x128xf32>
    %mul3A_48 = arith.mulf %get3A_46, %mul3A_47 : vector<1x128xf32>
    %mul3A_49 = vector.broadcast %mul3A_48 : vector<1x128xf32> to vector<4096x128xf32>
    %mul3A_50 = arith.mulf %add3A_43, %mul3A_49 : vector<4096x128xf32>
    %get3A_51 = arith.constant 0 : index
    %get3A_52 = arith.constant 0 : index
    %get3A_53 = vector.load %arg11[%get3A_51, %get3A_52] : memref<1x128xf32, #tpu.memory_space<vmem>>, vector<1x128xf32>
    %add3A_54 = vector.broadcast %get3A_53 : vector<1x128xf32> to vector<4096x128xf32>
    %add3A_55 = arith.addf %mul3A_50, %add3A_54 : vector<4096x128xf32>
    %max3A_56 = arith.constant 0.000000e+00 : f32
    %max3A_57 = vector.broadcast %max3A_56 : f32 to vector<4096x128xf32>
    %max3A_58 = arith.maximumf %add3A_55, %max3A_57 : vector<4096x128xf32>
    %get3A_59 = arith.constant 0 : index
    %get3A_60 = arith.constant 0 : index
    %get3A_61 = vector.load %arg12[%get3A_59, %get3A_60] : memref<128x3xf32, #tpu.memory_space<vmem>>, vector<128x3xf32>
    %dot_general3A_62 = arith.constant dense<0.000000e+00> : vector<3x4096xf32>
    %dot_general3A_63 = tpu.matmul %get3A_61, %max3A_58, %dot_general3A_62 {dimension_numbers = #tpu.dot_dimension_numbers<[0], [1], [1], [0], [0, 1, 1, 0], [], []>, transpose_lhs_hint = false} : vector<128x3xf32>, vector<4096x128xf32>, vector<3x4096xf32> -> vector<3x4096xf32>
    %get3A_64 = arith.constant 0 : index
    %get3A_65 = arith.constant 0 : index
    %get3A_66 = vector.load %arg13[%get3A_64, %get3A_65] : memref<3x1xf32, #tpu.memory_space<vmem>>, vector<3x1xf32>
    %add3A_67 = vector.broadcast %get3A_66 : vector<3x1xf32> to vector<3x4096xf32>
    %add3A_68 = arith.addf %dot_general3A_63, %add3A_67 : vector<3x4096xf32>
    %swap3A = arith.constant 0 : index
    %swap3A_69 = arith.constant 0 : index
    %swap3A_70 = vector.load %arg14[%swap3A, %swap3A_69] : memref<3x4096xf32, #tpu.memory_space<vmem>>, vector<3x4096xf32>
    tpu.vector_store %arg14[%swap3A, %swap3A_69], %add3A_68 {strides = array<i32>} : memref<3x4096xf32, #tpu.memory_space<vmem>>, vector<3x4096xf32>,
    return
  }
  func.func @transform_0(%arg0: i32) -> (i32, i32) {
    %c0_i32 = arith.constant 0 : i32
    %c0_i32_0 = arith.constant 0 : i32
    return %c0_i32, %arg0 : i32, i32
  }
  func.func @transform_1(%arg0: i32) -> (i32, i32) {
    %c0_i32 = arith.constant 0 : i32
    %c0_i32_0 = arith.constant 0 : i32
    return %c0_i32, %arg0 : i32, i32
  }
  func.func @transform_2(%arg0: i32) -> (i32, i32) {
    %c0_i32 = arith.constant 0 : i32
    %c0_i32_0 = arith.constant 0 : i32
    %c0_i32_1 = arith.constant 0 : i32
    return %c0_i32, %c0_i32_0 : i32, i32
  }
  func.func @transform_3(%arg0: i32) -> (i32, i32) {
    %c0_i32 = arith.constant 0 : i32
    %c0_i32_0 = arith.constant 0 : i32
    %c0_i32_1 = arith.constant 0 : i32
    return %c0_i32, %c0_i32_0 : i32, i32
  }
  func.func @transform_4(%arg0: i32) -> (i32, i32) {
    %c0_i32 = arith.constant 0 : i32
    %c0_i32_0 = arith.constant 0 : i32
    %c0_i32_1 = arith.constant 0 : i32
    return %c0_i32, %c0_i32_0 : i32, i32
  }
  func.func @transform_5(%arg0: i32) -> (i32, i32) {
    %c0_i32 = arith.constant 0 : i32
    %c0_i32_0 = arith.constant 0 : i32
    %c0_i32_1 = arith.constant 0 : i32
    return %c0_i32, %c0_i32_0 : i32, i32
  }
  func.func @transform_6(%arg0: i32) -> (i32, i32) {
    %c0_i32 = arith.constant 0 : i32
    %c0_i32_0 = arith.constant 0 : i32
    %c0_i32_1 = arith.constant 0 : i32
    return %c0_i32, %c0_i32_0 : i32, i32
  }
  func.func @transform_7(%arg0: i32) -> (i32, i32) {
    %c0_i32 = arith.constant 0 : i32
    %c0_i32_0 = arith.constant 0 : i32
    %c0_i32_1 = arith.constant 0 : i32
    return %c0_i32, %c0_i32_0 : i32, i32
  }
  func.func @transform_8(%arg0: i32) -> (i32, i32) {
    %c0_i32 = arith.constant 0 : i32
    %c0_i32_0 = arith.constant 0 : i32
    %c0_i32_1 = arith.constant 0 : i32
    return %c0_i32, %c0_i32_0 : i32, i32
  }
  func.func @transform_9(%arg0: i32) -> (i32, i32) {
    %c0_i32 = arith.constant 0 : i32
    %c0_i32_0 = arith.constant 0 : i32
    %c0_i32_1 = arith.constant 0 : i32
    return %c0_i32, %c0_i32_0 : i32, i32
  }
  func.func @transform_10(%arg0: i32) -> (i32, i32) {
    %c0_i32 = arith.constant 0 : i32
    %c0_i32_0 = arith.constant 0 : i32
    %c0_i32_1 = arith.constant 0 : i32
    return %c0_i32, %c0_i32_0 : i32, i32
  }
  func.func @transform_11(%arg0: i32) -> (i32, i32) {
    %c0_i32 = arith.constant 0 : i32
    %c0_i32_0 = arith.constant 0 : i32
    %c0_i32_1 = arith.constant 0 : i32
    return %c0_i32, %c0_i32_0 : i32, i32
  }
  func.func @transform_12(%arg0: i32) -> (i32, i32) {
    %c0_i32 = arith.constant 0 : i32
    %c0_i32_0 = arith.constant 0 : i32
    %c0_i32_1 = arith.constant 0 : i32
    return %c0_i32, %c0_i32_0 : i32, i32
  }
  func.func @transform_13(%arg0: i32) -> (i32, i32) {
    %c0_i32 = arith.constant 0 : i32
    %c0_i32_0 = arith.constant 0 : i32
    return %c0_i32, %arg0 : i32, i32
  }
}

</mosaic_0001>

<sc_bundles>
// kernel: kernel.4.cloned.1.call-start
scs
__scs_entry_jumppad:
0x0: {  	(pc) =	sbr.rel $0x88, $3  }
0x1: {  	(tag) =	ssettag $0x0;
	lr =	simm.s32 $0x1  }
0x2: {  	[smem:$0x3F94] =	sst lr;
	_ =	strace $0xD0000000  }
0x3: {  	_ = 	snop  }
0x4: {  	_ = 	snop  }
0x5: {  	_ = 	snop  }
0x6: {  	_ = 	snop  }
0x7: {  	_ = 	snop  }
__scs_overlays_trampoline_lowered:
0x8: {  	[smem:$0x3FA3] =	sst s0  }
0x9: {  	[smem:$0x3FA4] =	sst s1  }
0xa: {  	[smem:$0x3FA5] =	sst s2  }
0xb: {  	[smem:$0x3FA6] =	sst s3  }
0xc: {  	[smem:$0x3FA7] =	sst s4  }
0xd: {  	[smem:$0x3FA8] =	sst s5  }
0xe: {  	[smem:$0x3FA9] =	sst s6  }
0xf: {  	[smem:$0x3FAA] =	sst s7  }
0x10: {  	[smem:$0x3FAB] =	sst s8  }
0x11: {  	[smem:$0x3FAC] =	sst s9;
	s0 =	simm.s32 @!p0 $0x0  }
0x12: {  	s1 =	sld [smem:$0x3F92];
	s0 =	simm.s32 @p0 $0x1  }
0x13: {  	[smem:$0x3FAD] =	sst s0;
	s0 =	simm.s32 @!p1 $0x0  }
0x14: {  	s2 =	sld [smem:$0x3F91];
	s0 =	simm.s32 @p1 $0x1  }
0x15: {  	[smem:$0x3FAE] =	sst s0;
	s0 =	simm.s32 @!p2 $0x0  }
0x16: {  	s3 =	sld [smem:$0x3FDB];
	s0 =	simm.s32 @p2 $0x1  }
0x17: {  	s4 =	simm.s32 $0x1BF5;
	[smem:$0x3FB0] =	sst s0  }
0x18: {  	s0 =	sld [smem:$0x3F93];
	_ =	swait.ge [sflag:s4], $0x0  }
0x19: {  	s7 =	sld [smem:$0x3F94]  }
0x1a: {  	s8 =	sadd.s32 $0xFFFFE003, lr  }
0x1b: {  	s9 =	sadd.s32 $0xFFFFFEF7, lr;
	s5 =	simm.s32 $0xFFFFFFFF;
	p2 =	slt.u32 s8, $0xFFFFF086  }
0x1c: {  	p1 =	slt.u32 s9, $0xF7A;
	s5 =	simm.s32 @!p2 $0x0  }
0x1d: {  	s5 =	simm.s32 @p1 $0x1;
	p0 =	seq.s32 s7, s2  }
0x1e: {  	s7 =	smul.u32 @!p0 $0xF7A, s2;
	p2 =	seq.s32 @!p0 s5, $0x0  }
0x1f: {  	s9 =	smul.u32 $0xF7A, s1;
	s8 =	simm.s32 @!p0 $0x1BF5;
	p2 =	por !p2, p0  }
0x20: {  	[sflag:s8] =	ssyncset.s32 @!p0 $0xFFFFF086;
	s6 =	sadd.s32 @!p0 s3, s7;
	s7 =	simm.s32 @!p0 $0x108  }
0x21: {  	s3 =	sadd.s32 s3, s9;
	s6 =	sadd.s32 @!p0 $0x88, s6;
	s7 =	simm.s32 @p2 $0x1082  }
0x22: {  	[simem:s7], [sflag:s8] =	dma.local @!p0 [hbm:s6], $0xF7A  }
0x23: {  	s9 =	sor.u32 $0xD0000000, s2;
	s6 =	simm.s32 $0x108;
	_ =	swait.ge @!p0 [sflag:s8], $0x0  }
0x24: {  	s3 =	sadd.s32 $0x88, s3;
	s6 =	simm.s32 @!p1 $0x1082;
	[sflag:s4] =	ssyncset.s32 $0xFFFFF086  }
0x25: {  	[simem:s6], [sflag:s4] =	dma.local [hbm:s3], $0xF7A  }
0x26: {  	[smem:$0x3F94] =	sst s1;
	(tag) =	ssettag s2;
	_ =	strace s9  }
0x27: {  	s1 =	sld [smem:$0x3FA4]  }
0x28: {  	s2 =	sld [smem:$0x3FA5]  }
0x29: {  	s4 =	sld [smem:$0x3FA7]  }
0x2a: {  	p0 =	seq.s32 s5, $0x0;
	s5 =	sld [smem:$0x3FA8]  }
0x2b: {  	s6 =	sld [smem:$0x3FA9]  }
0x2c: {  	s7 =	sld [smem:$0x3FAA]  }
0x2d: {  	s3 =	simm.s32 $0x108;
	s8 =	sld [smem:$0x3FAB]  }
0x2e: {  	s3 =	simm.s32 @!p0 $0x1082;
	s9 =	sld [smem:$0x3FAC]  }
0x2f: {  	lr =	sadd.s32 s0, s3;
	s0 =	sld [smem:$0x3FA3]  }
0x30: {  	s3 =	sld [smem:$0x3FA6]  }
0x31: {  	[smem:$0x3FAF] =	sst s10  }
0x32: {  	s10 =	sld [smem:$0x3FAD];
	_ =	sdelay $0x3  }
0x33: {  	p0 =	seq.s32 s10, $0x1;
	s10 =	sld [smem:$0x3FAF];
	_ =	sdelay $0x3  }
0x34: {  	[smem:$0x3FAF] =	sst s10  }
0x35: {  	s10 =	sld [smem:$0x3FAE];
	_ =	sdelay $0x3  }
0x36: {  	p1 =	seq.s32 s10, $0x1;
	s10 =	sld [smem:$0x3FAF];
	_ =	sdelay $0x3  }
0x37: {  	[smem:$0x3FAF] =	sst s10  }
0x38: {  	s10 =	sld [smem:$0x3FB0]  }
0x39: {  	_ = 	snop;
	(pc) =	sbr.ind lr, $3  }
0x3a: {  	_ = 	snop  }
0x3b: {  	_ = 	snop  }
0x3c: {  	p2 =	seq.s32 s10, $0x1;
	s10 =	sld [smem:$0x3FAF]  }
0x3d: {  	_ =	shalt  }
0x3e: {  	_ =	shalt  }
0x3f: {  	_ =	shalt  }
0x40: {  	_ =	shalt  }
0x41: {  	_ =	shalt  }
0x42: {  	_ =	shalt  }
0x43: {  	_ =	shalt  }
0x44: {  	_ =	shalt  }
0x45: {  	_ =	shalt  }
0x46: {  	_ =	shalt  }
0x47: {  	_ =	shalt  }
0x48: {  	_ =	shalt  }
0x49: {  	_ =	shalt  }
0x4a: {  	_ =	shalt  }
0x4b: {  	_ =	shalt  }
0x4c: {  	_ =	shalt  }
0x4d: {  	_ =	shalt  }
0x4e: {  	_ =	shalt  }
0x4f: {  	_ =	shalt  }
0x50: {  	_ =	shalt  }
0x51: {  	_ =	shalt  }
0x52: {  	_ =	shalt  }
0x53: {  	_ =	shalt  }
0x54: {  	_ =	shalt  }
0x55: {  	_ =	shalt  }
0x56: {  	_ =	shalt  }
0x57: {  	_ =	shalt  }
0x58: {  	_ =	shalt  }
0x59: {  	_ =	shalt  }
0x5a: {  	_ =	shalt  }
0x5b: {  	_ =	shalt  }
0x5c: {  	_ =	shalt  }
0x5d: {  	_ =	shalt  }
0x5e: {  	_ =	shalt  }
0x5f: {  	_ =	shalt  }
0x60: {  	_ =	shalt  }
0x61: {  	_ =	shalt  }
0x62: {  	_ =	shalt  }
0x63: {  	_ =	shalt  }
0x64: {  	_ =	shalt  }
0x65: {  	_ =	shalt  }
0x66: {  	_ =	shalt  }
0x67: {  	_ =	shalt  }
0x68: {  	_ =	shalt  }
0x69: {  	_ =	shalt  }
0x6a: {  	_ =	shalt  }
0x6b: {  	_ =	shalt  }
0x6c: {  	_ =	shalt  }
0x6d: {  	_ =	shalt  }
0x6e: {  	_ =	shalt  }
0x6f: {  	_ =	shalt  }
0x70: {  	_ =	shalt  }
0x71: {  	_ =	shalt  }
0x72: {  	_ =	shalt  }
0x73: {  	_ =	shalt  }
0x74: {  	_ =	shalt  }
0x75: {  	_ =	shalt  }
0x76: {  	_ =	shalt  }
0x77: {  	_ =	shalt  }
0x78: {  	_ =	shalt  }
0x79: {  	_ =	shalt  }
0x7a: {  	_ =	shalt  }
0x7b: {  	_ =	shalt  }
0x7c: {  	_ =	shalt  }
0x7d: {  	_ =	shalt  }
0x7e: {  	_ =	shalt  }
0x7f: {  	_ =	shalt  }
0x80: {  	_ =	shalt  }
0x81: {  	_ =	shalt  }
0x82: {  	_ =	shalt  }
0x83: {  	_ =	shalt  }
0x84: {  	_ =	shalt  }
0x85: {  	_ =	shalt  }
0x86: {  	_ =	shalt  }
0x87: {  	_ =	shalt  }
.Lfunc_end0:
.L_simem_size_0:
called_computation_lowered:
.L_overlay_start_0:
0x88: {  	s2 =	sld [smem:$0x3FD9]  }
0x89: {  	s3 =	sld [smem:$0x3FFE];
	_ =	sdelay $0x1  }
0x8a: {  	s1 =	srdreg.scid  }
0x8b: {  	s0 =	sand.u32 $0x1, s1  }
0x8c: {  	s17 =	sshll.u32 s0, $0xA;
	s2 =	sadd.s32 s3, s2  }
0x8d: {  	s2 =	sadd.s32 s2, s17  }
0x8e: {  	[smem:$0x3FBB] =	sst s2  }
0x8f: {  	_ = 	snop  }
0x90: {  	s2 =	sld [smem:$0x3FC7]  }
0x91: {  	s18 =	sld [smem:$0x3FD0];
	(tm) =	ssettm $0x1  }
0x92: {  	s4 =	sld [smem:$0x3FFB];
	_ =	sdelay $0x3  }
0x93: {  	_ =	strace s4  }
0x94: {  	s4 =	sld [smem:$0x3FFC];
	_ =	sdelay $0x3  }
0x95: {  	_ =	strace s4  }
0x96: {  	s4 =	sld [smem:$0x3FFD];
	_ =	sdelay $0x3  }
0x97: {  	_ =	strace s4  }
0x98: {  	_ =	strace $0x8FFFFFFF  }
0x99: {  	s19 =	sld [smem:$0x3FDB];
	_ =	sdelay $0x1  }
0x9a: {  	s5 =	simm.s32 $_scs_section_size  }
0x9b: {  	s6 =	simm.s32 $_size__tile_overlayer_lowered;
	s7 =	simm.s32 $_tile_overlayer_lowered  }
0x9c: {  	s22 =	simm.s32 $0x1BFF;
	s21 =	sshll.u32 s7, $0x1;
	s4 =	sadd.s32 s5, s19  }
0x9d: {  	s8 =	simm.s32 $0x0;
	s20 =	sshll.u32 s6, $0x1;
	s6 =	sadd.s32 s21, s4  }
0x9e: {  	[timem:s8], [sflag:s22] =	dma.local [hbm:s6], s20  }
0x9f: {  	_ =	swait.ge [sflag:s22], s20  }
0xa0: {  	s5 =	ssub.s32 $0x0, s20;
	[sflag:s22] =	ssyncset.done $0x0  }
0xa1: {  	[sflag:s22] =	ssyncadd.s32 s5;
	_ =	sdelay $0x1  }
0xa2: {  	s23 =	simm.s32 $0x1B8B  }
0xa3: {  	_ =	swait.ge [sflag:s23], $0x1  }
0xa4: {  	[sflag:s23] =	ssyncset.done $0x0  }
0xa5: {  	s25 =	simm.s32 $0x1B8E;
	s24 =	sld [smem:$0x3FFE];
	[sflag:s23] =	ssyncadd.s32 $0xFFFFFFFF  }
0xa6: {  	s26 =	simm.s32 $execute0_lowered;
	[smem:$0x3FD2] =	sst s25  }
0xa7: {  	s6 =	sshll.u32 s26, $0x1;
	_ =	strace $0x80000046;
	[dreg:$0x1] =	wrdreg $0xFFFFFFFF  }
0xa8: {  	s28 =	simm.s32 $_size_execute0_lowered;
	s4 =	sadd.s32 s4, s6;
	[dreg:$0x0] =	wrdreg $0x0  }
0xa9: {  	s6 =	sshll.u32 s28, $0x1;
	[dreg:$0x2] =	wrdreg s4  }
0xaa: {  	[dreg:$0x3] =	wrdreg s6  }
0xab: {  	[dreg:$0x4] =	wrdreg $0xC0  }
0xac: {  	_ =	task [dreg:s8], $0x5FFFF  }
0xad: {  	[dreg:$0x1] =	wrdreg $0xFFFFFFFF  }
0xae: {  	[dreg:$0x0] =	wrdreg $0x60  }
0xaf: {  	[dreg:$0x2] =	wrdreg s2  }
0xb0: {  	[dreg:$0x3] =	wrdreg s18  }
0xb1: {  	[dreg:$0x4] =	wrdreg s24  }
0xb2: {  	[dreg:$0x5] =	wrdreg $0x9  }
0xb3: {  	_ =	task.clear_ibuf [dreg:s8], $0x6FFFF;
	_ =	strace $0x90000046  }
0xb4: {  	s29 =	simm.s32 $0x9;
	_ =	strace $0x80000048  }
0xb5: {  	_ =	swait.ge [sflag:s29], $0x1  }
0xb6: {  	[sflag:s29] =	ssyncadd.s32 $0xFFFFFFFF  }
0xb7: {  	_ =	strace $0x90000048  }
0xb8: {  	_ =	sfence  }
0xb9: {  	s30 =	sld [smem:$0x0];
	_ =	sdelay $0x2  }
0xba: {  	s31 =	sshll.u32 s1, $0xD;
	s1 =	sshrl.u32 s1, $0x2  }
0xbb: {  	s3 =	sand.u32 $0x4000, s31;
	s1 =	sadd.s32 s1, s30  }
0xbc: {  	s0 =	sor.u32 s3, s0;
	s1 =	sshll.u32 s1, $0x11  }
0xbd: {  	s0 =	sor.u32 s1, s0  }
0xbe: {  	s0 =	sadd.s32 $0x8F2B, s0  }
0xbf: {  	[sflag:s0] =	ssyncadd.remote.s32 $0x1  }
0xc0: {  	_ =	sfence.sel $0xFFFF  }
0xc1: {  	[dreg:$0x0] =	wrdreg $0xFFFFFFFF;
	(pc) =	sbr.abs _section_cstart, $3  }
0xc2: {  	[dreg:$0x1] =	wrdreg $0xFFFFFFFF  }
0xc3: {  	_ =	task.clear_ibuf [dreg:s8], $0x2FFFF;
	_ =	strace $0x9FFFFFFF  }
0xc4: {  	(tm) =	ssettm $0x7FFFFFFF  }
0xc5: {  	_ =	shalt  }
tec
execute0_lowered:
.L_overlay_start_1:
0x0: {  	(tag) =	ssettag $0x1  }
0x1: {  	s0 =	srdreg.scid;
	s7 =	rddreg [dreg:$0x0]  }
0x2: {  	s1 =	stileid.u32;
	s2 =	rddreg [dreg:$0x2];
	s5 =	simm.s32 $0x0  }
0x3: {  	s14 =	simm.s32 $0x80;
	s0 =	sand.u32 $0x1, s0;
	s1 =	sshll.u32 s1, $0x1  }
0x4: {  	s18 =	simm.s32 $0x400;
	[smem:$0x7FF] =	sst s5;
	s1 =	sor.u32 s0, s1  }
0x5: {  	s9 =	sadd.s32 $0x1A00, s2;
	s2 =	sadd.s32 $0x11A00, s2;
	s8 =	smul.u32 $0xD, s1  }
0x6: {  	_ =	strace $0x80000047;
	s0 =	ssub.s32 $0x2, s0;
	[dreg:$0x6] =	wrdreg s2  }
0x7: {  	s1 =	smul.u32 $0x280, s1;
	s3 =	sshrl.u32 s8, $0x4;
	s4 =	sshll.u32 s8, $0x1C  }
0x8: {  	s6 =	sshrl.u32 s0, $0x1;
	s3 =	smul.u32 $0x187000, s3;
	s4 =	sshra.s32 s4, $0x1F  }
0x9: {  	[dreg:$0x5] =	wrdreg s9;
	s0 =	ssub.s32 s0, s6;
	s4 =	sand.u32 $0xC3800, s4  }
0xa: {  	s1 =	sand.u32 $0x380, s1;
	s26 =	sshll.u32 s8, $0x7;
	s3 =	sadd.s32 s3, s4  }
0xb: {  	[dreg:$0x4] =	wrdreg s8;
	s28 =	sand.u32 $0x70, s8;
	s1 =	sor.u32 s1, s3  }
0xc: {  	s0 =	smax.u32 s0, $0x1;
	s30 =	sand.u32 $0xC000, s26;
	s1 =	sshrl.u32 s1, $0x3  }
0xd: {  	s31 =	sadd.s32 s9, s28;
	[dreg:$0x9] =	wrdreg s0;
	s1 =	sadd.s32 s7, s1  }
0xe: {  	s29 =	simm.s32 $0x1;
	v1 =	vimm.s32 $0x0;
	vm0 =	vcmask $0x300;
	v0 =	vlaneseq.u32;
	[dreg:$0x7] =	wrdreg s1;
	s1 =	sadd.s32 s30, s31  }
0xf: {  	s17 =	simm.s32 $0x14480;
	v1 =	vsel vm0, $0x7, v1;
	v2 =	vor.u32 $0x70, v0;
	s2 =	simm.s32 $0x0;
	[dreg:$0x8] =	wrdreg s1  }
.LBB2_1:
0x10: {  	[dreg:$0xa] =	wrdreg s2  }
0x11: {  	s0 =	rddreg [dreg:$0x7]  }
0x12: {  	s31 =	rddreg [dreg:$0x8]  }
0x13: {  	[tilespmem:s5], [sflag:$0x1] =	stream.strided.gather [hbm4b:s0+s14], $0x6200, s18, s14, $0x38;
	[tilespmem:$0x1C480] =	vst v63  }
0x14: {  	s1 =	simm.s32 $0xC480;
	p0 =	por $0x0, $0x0;
	s24 =	simm.s32 $0x0  }
0x15: {  	[tilespmem:s1], [sflag:$0x4] =	stream.strided.gather [hbm4b:s31+s14], $0x4000, s18, s14, $0x38;
	[tilespmem:$0x1C480] =	vst v63  }
.LBB2_2:
0x16: {  	s0 =	smov.u32 s24;
	s1 =	simm.s32 $0x4;
	s24 =	sadd.s32 $0x1, s24  }
0x17: {  	_ =	swait.ge [sflag:s1], $0x4000;
	p2 =	seq.s32 s0, $0xC;
	s26 =	sand.u32 $0x1, s0  }
0x18: {  	p3 =	slt.u32 s0, $0x2;
	[sflag:s1] =	ssyncset.done $0x0;
	s6 =	rddreg [dreg:$0x4]  }
0x19: {  	s4 =	rddreg [dreg:$0x5];
	[sflag:s1] =	ssyncadd.s32 $0xFFFFC000;
	s31 =	sadd.s32 @!p2 s6, s24  }
0x1a: {  	s1 =	sshll.u32 @!p2 s24, $0xE;
	s25 =	sadd.s32 s6, s0;
	s3 =	sshll.u32 @!p2 s31, $0x7  }
0x1b: {  	s2 =	sand.u32 @!p2 $0x70, s31;
	s1 =	sand.u32 @!p2 $0x4000, s1;
	[dreg:$0xc] =	wrdreg s3  }
0x1c: {  	s3 =	sand.u32 @!p2 $0xFFFC000, s3;
	s1 =	sadd.s32 @!p2 $0xC480, s1;
	s2 =	sadd.s32 @!p2 s4, s2  }
0x1d: {  	s4 =	simm.s32 @!p2 $0x400;
	s2 =	sadd.s32 @!p2 s3, s2;
	s3 =	simm.s32 @!p2 $0x80  }
0x1e: {  	[tilespmem:s1], [sflag:$0x4] =	stream.strided.gather @!p2 [hbm4b:s2+s3], $0x4000, s4, s3, $0x38;
	[tilespmem:$0x1C480] =	vst v63  }
0x1f: {  	p1 =	sne.s32 @!p3 s26, $0x0;
	s0 =	sshrl.u32 s25, $0x4;
	s3 =	sshrl.u32 s25, $0x3  }
0x20: {  	p4 =	por p1, p3;
	s4 =	smul.u32 $0x187000, s0;
	s13 =	sand.u32 $0x1, s3  }
0x21: {  	p1 =	seq.s32 s26, $0x1;
	s2 =	simm.s32 @!p4 $0x5;
	s6 =	smul.u32 $0xC3800, s13  }
0x22: {  	s8 =	sshll.u32 s25, $0x7;
	p3 =	por !p1, p3;
	_ =	swait.ge @!p4 [sflag:s2], $0x4000  }
0x23: {  	s8 =	sand.u32 $0x380, s8;
	[sflag:s2] =	ssyncset.done @!p4 $0x0;
	s16 =	sadd.s32 s4, s6  }
0x24: {  	s1 =	simm.s32 @!p3 $0x6;
	[sflag:s2] =	ssyncadd.s32 @!p4 $0xFFFFC000;
	s9 =	sor.u32 s8, s16  }
0x25: {  	_ =	swait.ge @!p3 [sflag:s1], $0x4000;
	s2 =	sadd.s32 $0x31000, s9  }
0x26: {  	s11 =	simm.s32 $0x6200;
	[sflag:s1] =	ssyncset.done @!p3 $0x0;
	s2 =	sshrl.u32 s2, $0x3  }
0x27: {  	s3 =	simm.s32 $0x1;
	[sflag:s1] =	ssyncadd.s32 @!p3 $0xFFFFC000;
	s10 =	sadd.s32 s7, s2  }
0x28: {  	[tilespmem:s11], [sflag:$0x2] =	stream.strided.gather [hbm4b:s10+s14], $0x6200, s18, s14, $0x38;
	[tilespmem:$0x1C480] =	vst v63  }
0x29: {  	s3 =	simm.s32 @!p0 $0x0;
	_ =	swait.ge [sflag:s29], $0x6200  }
0x2a: {  	s12 =	sshll.u32 s3, $0xE;
	[sflag:s29] =	ssyncset.done $0x0  }
0x2b: {  	s1 =	sadd.s32 $0xC4C0, s12;
	[sflag:s29] =	ssyncadd.s32 $0xFFFF9E00  }
0x2c: {  	v3 =	vld [tilespmem:s1+$0x30]  }
0x2d: {  	v4 =	vld [tilespmem:s1+$0xFFFFFFC0]  }
0x2e: {  	v5 =	vld [tilespmem:s1+$0xFFFFFFD0]  }
0x2f: {  	s20 =	sor.u32 $0x70, s12;
	v6 =	vld [tilespmem:s1+$0xFFFFFFE0]  }
0x30: {  	v12 =	vmov s20;
	v11 =	vld [tilespmem:s1+$0x20]  }
0x31: {  	s23 =	sadd.s32 $0xFFFFFFA0, s20;
	s21 =	sadd.s32 $0xFFFFFFB0, s20;
	v12 =	vshrl.u32 v12, $0x7  }
0x32: {  	s15 =	sadd.s32 $0x80, s20;
	v29 =	vor.u32 s23, v0;
	v30 =	vor.u32 s21, v0;
	v12 =	vshll.u32 v12, v1;
	v7 =	vld [tilespmem:s1+$0xFFFFFFF0]  }
0x33: {  	v23 =	vmov s15;
	v12 =	vbroadcast v12, $0x0;
	v9 =	vld [tilespmem:s1+$0x10];
	vm0 =	vgt.s32 v3, $0x0  }
0x34: {  	vm2 =	vgt.s32 v4, $0x0;
	vm1 =	vlt.u32 v4, $0x6200;
	vm5 =	vlt.u32 v3, $0x6200  }
0x35: {  	v8 =	vld [tilespmem:s1+$0x0];
	vm4 =	vlt.u32 v5, $0x6200;
	vm7 =	vlt.u32 v6, $0x6200;
	vm6 =	vlt.u32 v11, $0x6200  }
0x36: {  	v10 =	vnsel vm0, $0x0, v3;
	vm0 =	vgt.s32 v5, $0x0;
	v4 =	vnsel vm2, $0x0, v4  }
0x37: {  	vm2 =	vgt.s32 v7, $0x0;
	v3 =	vor.u32 v2, v12;
	vm9 =	vmmov vm1  }
0x38: {  	vm1 =	vlt.u32 v9, $0x6200;
	v13 =	vmin.u32 v10, $0x61FF;
	v10 =	vnsel vm0, $0x0, v5  }
0x39: {  	s10 =	sadd.s32 $0x80, s1;
	vm0 =	vgt.s32 v6, $0x0;
	v15 =	vnsel vm2, $0x0, v7;
	vm2 =	vgt.s32 v9, $0x0  }
0x3a: {  	v28 =	vld [tilespmem:s10+$0xFFFFFFD0];
	v18 =	vmin.u32 v4, $0x61FF;
	v14 =	vnsel vm0, $0x0, v6;
	vm0 =	vgt.s32 v8, $0x0  }
0x3b: {  	s6 =	sadd.s32 $0xFFFFFFC0, s20;
	s22 =	sadd.s32 $0xFFFFFFE0, s20;
	v12 =	vld [tilespmem:s10+$0xFFFFFFC0];
	v17 =	vnsel vm2, $0x0, v9;
	v19 =	vmin.u32 v10, $0x61FF;
	v15 =	vmin.u32 v15, $0x61FF  }
0x3c: {  	v31 =	vld [tilespmem:s10+$0xFFFFFFE0];
	vm2 =	vlt.u32 v8, $0x6200;
	v9 =	vor.u32 s6, v0;
	v6 =	vor.u32 s22, v0  }
0x3d: {  	v10 =	vld [tilespmem:s10+$0x0];
	v16 =	vnsel vm0, $0x0, v8;
	vm0 =	vgt.s32 v11, $0x0;
	v14 =	vmin.u32 v14, $0x61FF  }
0x3e: {  	v22 =	vmin.u32 v17, $0x61FF;
	v17 =	vld [tilespmem:s10+$0x30];
	vm3 =	vmmov vm2;
	vm2 =	vmmov vm1  }
0x3f: {  	v8 =	vld [tilespmem:s10+$0xFFFFFFF0];
	vm1 =	vmmov vm6;
	v4 =	vnsel vm0, $0x0, v11;
	v16 =	vmin.u32 v16, $0x61FF  }
0x40: {  	s9 =	sadd.s32 $0xFFFFFF90, s20;
	vm0 =	vlt.u32 v7, $0x6200;
	v11 =	vld [tilespmem:s10+$0x10];
	v27 =	vmin.u32 v4, $0x61FF;
	vm10 =	vgt.s32 v12, $0x0  }
0x41: {  	s3 =	sadd.s32 $0xFFFFFFD0, s20;
	v4 =	vmov s9;
	vm6 =	vlt.u32 v12, $0x6200;
	v21 =	vnsel vm10, $0x0, v12;
	v12 =	vld [tilespmem:s10+$0x20]  }
0x42: {  	v7 =	vor.u32 s3, v0;
	v5 =	vshrl.u32 v4, $0x7;
	v32 =	vld.idx.msk [tilespmem:v18+s5+$0x0], $0xffff;
	v18 =	vshrl.u32 v23, $0x7  }
0x43: {  	v13 =	vld.idx.msk [tilespmem:v13+s5+$0x0], $0xffff;
	v5 =	vshll.u32 v5, v1;
	v18 =	vshll.u32 v18, v1;
	vm8 =	vgt.s32 v17, $0x0  }
0x44: {  	v34 =	vld.idx.msk [tilespmem:v19+s5+$0x0], $0xffff;
	v5 =	vbroadcast v5, $0x0;
	v19 =	vbroadcast v18, $0x0;
	v20 =	vnsel vm8, $0x0, v17  }
0x45: {  	s19 =	sadd.s32 $0xFFFFFFF0, s20;
	v18 =	vmin.u32 v21, $0x61FF;
	vm8 =	vgt.s32 v28, $0x0;
	v20 =	vmin.u32 v20, $0x61FF  }
0x46: {  	vm10 =	vgt.s32 v11, $0x0;
	v24 =	vor.u32 v0, v5;
	v5 =	vor.u32 s19, v0  }
0x47: {  	v26 =	vnsel vm8, $0x0, v28;
	vm8 =	vgt.s32 v31, $0x0;
	v37 =	vnsel vm10, $0x0, v11  }
0x48: {  	v36 =	vld.idx.msk [tilespmem:v14+s5+$0x0], $0xffff;
	v25 =	vor.u32 v2, v19;
	v33 =	vnsel vm8, $0x0, v31;
	vm8 =	vgt.s32 v8, $0x0  }
0x49: {  	s18 =	sshll.u32 s26, $0xE;
	v23 =	vld.idx.msk [tilespmem:v15+s5+$0x0], $0xffff;
	vm10 =	vgt.s32 v12, $0x0;
	[tilespmem:v3+s17+$0x0] =	vst.idx.msk vm5, v13;
	v35 =	vnsel vm8, $0x0, v8;
	vm8 =	vgt.s32 v10, $0x0  }
0x4a: {  	s14 =	sadd.s32 $0xFFFFFF90, s15;
	v19 =	vmin.u32 v26, $0x61FF;
	v14 =	vnsel vm8, $0x0, v10;
	vm8 =	vlt.u32 v17, $0x6200;
	v20 =	vld.idx.msk [tilespmem:v20+s5+$0x0], $0xffff;
	[dreg:$0xb] =	wrdreg s18  }
0x4b: {  	s30 =	smov.u32 s7;
	s28 =	simm.s32 $0x8;
	s4 =	sadd.s32 $0xFFFFFFC0, s15;
	v26 =	vmov s14;
	vm5 =	vlt.u32 v28, $0x6200;
	v13 =	vnsel vm10, $0x0, v12;
	v21 =	vld.idx.msk [tilespmem:v16+s5+$0x0], $0xffff;
	[tilespmem:v24+s17+$0x0] =	vst.idx.msk vm9, v32  }
0x4c: {  	s12 =	sadd.s32 $0xFFFFFFD0, s15;
	s2 =	sadd.s32 $0xFFFFFFA0, s15;
	s7 =	sadd.s32 $0xFFFFFFB0, s15;
	v17 =	vmin.u32 v33, $0x61FF;
	v13 =	vmin.u32 v13, $0x61FF;
	v15 =	vmin.u32 v14, $0x61FF;
	v24 =	vld.idx.msk [tilespmem:v22+s5+$0x0], $0xffff;
	[tilespmem:v29+s17+$0x0] =	vst.idx.msk vm4, v34  }
0x4d: {  	s11 =	sadd.s32 $0x80, s10;
	s29 =	sadd.s32 $0xFFFFFFF0, s15;
	s14 =	sadd.s32 $0xFFFFFFE0, s15;
	v14 =	vmin.u32 v37, $0x61FF;
	v16 =	vmin.u32 v35, $0x61FF;
	v22 =	vld.idx.msk [tilespmem:v27+s5+$0x0], $0xffff;
	vm4 =	vlt.u32 v31, $0x6200;
	[tilespmem:v30+s17+$0x0] =	vst.idx.msk vm7, v36  }
.LBB2_3:
0x4e: {  	v26 =	vshrl.u32 v26, $0x7  }
0x4f: {  	v27 =	vld [tilespmem:s11+$0x30];
	s28 =	sadd.s32 $0x8, s28;
	vm9 =	vlt.u32 v10, $0x6200;
	[tilespmem:v9+s17+$0x0] =	vst.idx.msk vm0, v23;
	vm0 =	vlt.u32 v8, $0x6200;
	vm7 =	vmmov vm6  }
0x50: {  	vm6 =	vlt.u32 v11, $0x6200;
	vm10 =	vlt.u32 v12, $0x6200;
	v23 =	vld [tilespmem:s11+$0xFFFFFFC0];
	p3 =	slt.u32 s28, $0x3F8;
	v8 =	vshll.u32 v26, v1;
	[tilespmem:v25+s17+$0x0] =	vst.idx.msk vm8, v20  }
0x51: {  	v29 =	vor.u32 s7, v0;
	v26 =	vor.u32 s2, v0;
	v28 =	vld [tilespmem:s11+$0xFFFFFFD0];
	v10 =	vbroadcast v8, $0x0;
	[tilespmem:v7+s17+$0x0] =	vst.idx.msk vm3, v21  }
0x52: {  	v9 =	vor.u32 s4, v0;
	v11 =	vor.u32 s14, v0;
	v7 =	vor.u32 s12, v0;
	v30 =	vld [tilespmem:s11+$0xFFFFFFE0]  }
0x53: {  	v12 =	vor.u32 s29, v0;
	vm3 =	vmmov vm9;
	v8 =	vld [tilespmem:s11+$0xFFFFFFF0];
	v31 =	vor.u32 v0, v10;
	[tilespmem:v6+s17+$0x0] =	vst.idx.msk vm2, v24;
	v6 =	vmovc v11  }
0x54: {  	vm2 =	vmmov vm6;
	v10 =	vld [tilespmem:s11+$0x0];
	vm8 =	vgt.s32 v27, $0x0;
	[tilespmem:v5+s17+$0x0] =	vst.idx.msk vm1, v22;
	v5 =	vmovc v12;
	vm1 =	vmmov vm10  }
0x55: {  	vm9 =	vgt.s32 v23, $0x0;
	vm6 =	vlt.u32 v23, $0x6200;
	v11 =	vld [tilespmem:s11+$0x10];
	v20 =	vnsel vm8, $0x0, v27  }
0x56: {  	s15 =	sadd.s32 $0x80, s15;
	v21 =	vnsel vm9, $0x0, v23;
	vm8 =	vgt.s32 v28, $0x0;
	v12 =	vld [tilespmem:s11+$0x20];
	v20 =	vmin.u32 v20, $0x61FF  }
0x57: {  	s18 =	sadd.s32 $0xFFFFFF90, s15;
	s2 =	sadd.s32 $0xFFFFFFA0, s15;
	s7 =	sadd.s32 $0xFFFFFFB0, s15;
	v23 =	vmov s15;
	v22 =	vnsel vm8, $0x0, v28;
	vm8 =	vgt.s32 v30, $0x0;
	v24 =	vld.idx.msk [tilespmem:v18+s5+$0x0], $0xffff  }
0x58: {  	s4 =	sadd.s32 $0xFFFFFFC0, s15;
	s14 =	sadd.s32 $0xFFFFFFE0, s15;
	s12 =	sadd.s32 $0xFFFFFFD0, s15;
	v18 =	vshrl.u32 v23, $0x7;
	v32 =	vnsel vm8, $0x0, v30;
	vm8 =	vgt.s32 v8, $0x0;
	v33 =	vld.idx.msk [tilespmem:v19+s5+$0x0], $0xffff  }
0x59: {  	s29 =	sadd.s32 $0xFFFFFFF0, s15;
	v18 =	vshll.u32 v18, v1;
	v34 =	vnsel vm8, $0x0, v8;
	vm8 =	vgt.s32 v10, $0x0;
	v35 =	vld.idx.msk [tilespmem:v17+s5+$0x0], $0xffff  }
0x5a: {  	v17 =	vbroadcast v18, $0x0;
	v36 =	vnsel vm8, $0x0, v10;
	vm8 =	vgt.s32 v11, $0x0;
	v23 =	vld.idx.msk [tilespmem:v16+s5+$0x0], $0xffff  }
.Ltmp0:
0x5b: {  	v37 =	vnsel vm8, $0x0, v11;
	vm9 =	vgt.s32 v12, $0x0;
	v20 =	vld.idx.msk [tilespmem:v20+s5+$0x0], $0xffff;
	vm8 =	vlt.u32 v27, $0x6200;
	(pc) =	sbr.rel @p3 .LBB2_3-.Ltmp0, $4  }
0x5c: {  	v18 =	vmin.u32 v21, $0x61FF;
	v25 =	vor.u32 v2, v17;
	v27 =	vnsel vm9, $0x0, v12;
	v21 =	vld.idx.msk [tilespmem:v15+s5+$0x0], $0xffff  }
0x5d: {  	v19 =	vmin.u32 v22, $0x61FF;
	v16 =	vmin.u32 v34, $0x61FF;
	v17 =	vmin.u32 v32, $0x61FF;
	[tilespmem:v31+s17+$0x0] =	vst.idx.msk vm7, v24;
	v24 =	vld.idx.msk [tilespmem:v14+s5+$0x0], $0xffff  }
0x5e: {  	v15 =	vmin.u32 v36, $0x61FF;
	v14 =	vmin.u32 v37, $0x61FF;
	[tilespmem:v26+s17+$0x0] =	vst.idx.msk vm5, v33;
	v22 =	vld.idx.msk [tilespmem:v13+s5+$0x0], $0xffff;
	v13 =	vmin.u32 v27, $0x61FF  }
0x5f: {  	s11 =	sadd.s32 $0x80, s11;
	v26 =	vmov s18;
	vm5 =	vlt.u32 v28, $0x6200;
	[tilespmem:v29+s17+$0x0] =	vst.idx.msk vm4, v35;
	vm4 =	vlt.u32 v30, $0x6200  }
0x60: {  	_ = 	snop  }
0x61: {  	v26 =	vshrl.u32 v26, $0x7  }
0x62: {  	v26 =	vshll.u32 v26, v1  }
0x63: {  	v26 =	vbroadcast v26, $0x0  }
0x64: {  	vm6 =	vmmov vm6  }
0x65: {  	[tilespmem:v9+s17+$0x0] =	vst.idx.msk vm0, v23;
	v18 =	vld.idx.msk [tilespmem:v18+s5+$0x0], $0xffff;
	v9 =	vor.u32 v0, v26  }
0x66: {  	[tilespmem:v25+s17+$0x0] =	vst.idx.msk vm8, v20;
	v56 =	vor.u32 s2, v0;
	v19 =	vld.idx.msk [tilespmem:v19+s5+$0x0], $0xffff  }
0x67: {  	vm0 =	vlt.u32 v8, $0x6200;
	vm7 =	vlt.u32 v10, $0x6200;
	v8 =	vor.u32 s7, v0;
	[tilespmem:v7+s17+$0x0] =	vst.idx.msk vm3, v21;
	v7 =	vld.idx.msk [tilespmem:v17+s5+$0x0], $0xffff  }
0x68: {  	v10 =	vor.u32 s4, v0;
	vm3 =	vlt.u32 v11, $0x6200;
	[tilespmem:v6+s17+$0x0] =	vst.idx.msk vm2, v24;
	vm2 =	vmmov vm7;
	v6 =	vld.idx.msk [tilespmem:v16+s5+$0x0], $0xffff  }
0x69: {  	v11 =	vor.u32 s12, v0;
	[tilespmem:v5+s17+$0x0] =	vst.idx.msk vm1, v22;
	vm1 =	vmmov vm3;
	v5 =	vld.idx.msk [tilespmem:v15+s5+$0x0], $0xffff  }
0x6a: {  	vm12 =	vlt.u32 v12, $0x6200;
	v12 =	vor.u32 s14, v0;
	[tilespmem:v9+s17+$0x0] =	vst.idx.msk vm6, v18;
	v9 =	vld.idx.msk [tilespmem:v14+s5+$0x0], $0xffff  }
0x6b: {  	v13 =	vld.idx.msk [tilespmem:v13+s5+$0x0], $0xffff;
	[tilespmem:v56+s17+$0x0] =	vst.idx.msk vm5, v19;
	v14 =	vor.u32 s29, v0  }
0x6c: {  	[tilespmem:v8+s17+$0x0] =	vst.idx.msk vm4, v7  }
0x6d: {  	s16 =	sadd.s32 s8, s16;
	[tilespmem:v10+s17+$0x0] =	vst.idx.msk vm0, v6  }
0x6e: {  	[tilespmem:v11+s17+$0x0] =	vst.idx.msk vm2, v5;
	s29 =	sadd.s32 $0x62000, s16  }
0x6f: {  	s7 =	smov.u32 s30;
	s14 =	simm.s32 $0x80;
	s2 =	sshrl.u32 s29, $0x3;
	[tilespmem:v12+s17+$0x0] =	vst.idx.msk vm1, v9  }
0x70: {  	s18 =	simm.s32 $0x400;
	s2 =	sadd.s32 s30, s2;
	s30 =	simm.s32 $0x2;
	[tilespmem:v14+s17+$0x0] =	vst.idx.msk vm12, v13  }
0x71: {  	[tilespmem:s5], [sflag:$0x1] =	stream.strided.gather [hbm4b:s2+s14], $0x6200, s18, s14, $0x38;
	[tilespmem:$0x1C480] =	vst v63  }
0x72: {  	_ =	swait.ge [sflag:s30], $0x6200  }
0x73: {  	[sflag:s30] =	ssyncset.done $0x0  }
0x74: {  	[sflag:s30] =	ssyncadd.s32 $0xFFFF9E00  }
0x75: {  	v5 =	vld [tilespmem:s1+$0x30]  }
0x76: {  	v6 =	vld [tilespmem:s1+$0xFFFFFFC0]  }
0x77: {  	v7 =	vld [tilespmem:s1+$0xFFFFFFD0]  }
0x78: {  	v8 =	vld [tilespmem:s1+$0xFFFFFFE0]  }
0x79: {  	v10 =	vld [tilespmem:s1+$0x0];
	_ =	sdelay $0x2  }
0x7a: {  	vm3 =	vmmov vm12;
	v9 =	vld [tilespmem:s1+$0xFFFFFFF0]  }
0x7b: {  	v11 =	vadd.s32 $0xFFFF9E00, v5;
	v18 =	vadd.s32 $0xFFFF9E00, v6;
	v5 =	vadd.s32 $0xFFFF9E00, v7  }
0x7c: {  	v6 =	vadd.s32 $0xFFFF9E00, v8;
	v8 =	vadd.s32 $0xFFFF9E00, v10;
	vm0 =	vgt.s32 v11, $0x0  }
0x7d: {  	vm1 =	vgt.s32 v18, $0x0;
	vm2 =	vgt.s32 v6, $0x0;
	vm13 =	vgt.s32 v8, $0x0  }
0x7e: {  	v12 =	vld [tilespmem:s1+$0x10];
	v7 =	vnsel vm0, $0x0, v11;
	vm0 =	vgt.s32 v5, $0x0;
	v15 =	vnsel vm2, $0x0, v6  }
0x7f: {  	v17 =	vnsel vm13, $0x0, v8;
	v14 =	vmin.u32 v7, $0x61FF;
	v7 =	vadd.s32 $0xFFFF9E00, v9  }
0x80: {  	v13 =	vld [tilespmem:s1+$0x20];
	v15 =	vmin.u32 v15, $0x61FF;
	v17 =	vmin.u32 v17, $0x61FF;
	v9 =	vadd.s32 $0x6200, v14  }
0x81: {  	v14 =	vand.u32 $0x7F, v14;
	vm3 =	vgt.s32 v7, $0x0;
	v59 =	vadd.s32 $0x6200, v15  }
0x82: {  	v61 =	vadd.s32 $0x6200, v17;
	v15 =	vand.u32 $0x7F, v15;
	v28 =	vand.u32 $0x7F, v17  }
0x83: {  	v10 =	vand.u32 $0xFF80, v9;
	v9 =	vadd.s32 $0xFFFF9E00, v12;
	v16 =	vnsel vm3, $0x0, v7  }
0x84: {  	v22 =	vand.u32 $0xFF80, v59;
	v24 =	vand.u32 $0xFF80, v61;
	v12 =	vor.u32 v14, v10  }
0x85: {  	v10 =	vadd.s32 $0xFFFF9E00, v13;
	vm14 =	vgt.s32 v9, $0x0;
	v13 =	vnsel vm1, $0x0, v18  }
0x86: {  	v14 =	vnsel vm0, $0x0, v5;
	vm0 =	vlt.u32 v11, $0x6200;
	v16 =	vmin.u32 v16, $0x61FF  }
0x87: {  	v15 =	vor.u32 v15, v22;
	vm15 =	vgt.s32 v10, $0x0;
	v19 =	vnsel vm14, $0x0, v9  }
0x88: {  	v11 =	vmin.u32 v13, $0x61FF;
	v14 =	vmin.u32 v14, $0x61FF;
	v60 =	vadd.s32 $0x6200, v16  }
0x89: {  	v27 =	vand.u32 $0x7F, v16;
	v13 =	vnsel vm15, $0x0, v10;
	v19 =	vmin.u32 v19, $0x61FF  }
0x8a: {  	v57 =	vadd.s32 $0x6200, v11;
	v58 =	vadd.s32 $0x6200, v14;
	v23 =	vand.u32 $0xFF80, v60  }
0x8b: {  	v11 =	vand.u32 $0x7F, v11;
	v14 =	vand.u32 $0x7F, v14;
	v13 =	vmin.u32 v13, $0x61FF;
	v12 =	vld.idx.msk [tilespmem:v12+s5+$0x0], $0xffff  }
0x8c: {  	v62 =	vadd.s32 $0x6200, v19;
	v20 =	vand.u32 $0xFF80, v57;
	v21 =	vand.u32 $0xFF80, v58  }
0x8d: {  	v19 =	vand.u32 $0x7F, v19;
	v63 =	vadd.s32 $0x6200, v13;
	v25 =	vand.u32 $0xFF80, v62  }
0x8e: {  	v29 =	vand.u32 $0x7F, v13;
	v17 =	vor.u32 v11, v20;
	v16 =	vor.u32 v14, v21  }
0x8f: {  	v14 =	vor.u32 v27, v23;
	v13 =	vor.u32 v28, v24;
	v26 =	vand.u32 $0xFF80, v63  }
0x90: {  	s15 =	simm.s32 $0x0;
	s28 =	smov.u32 s20;
	v11 =	vor.u32 v29, v26;
	[tilespmem:v3+s17+$0x0] =	vst.idx.msk vm0, v12;
	v12 =	vor.u32 v19, v25;
	vm0 =	vlt.u32 v18, $0x6200  }
.LBB2_5:
0x91: {  	v18 =	vld [tilespmem:s10+$0x30];
	s15 =	sadd.s32 $0x8, s15;
	v4 =	vshrl.u32 v4, $0x7;
	vm6 =	vlt.u32 v5, $0x6200;
	vm4 =	vlt.u32 v6, $0x6200  }
0x92: {  	vm5 =	vlt.u32 v7, $0x6200;
	vm3 =	vlt.u32 v8, $0x6200;
	v5 =	vld [tilespmem:s10+$0xFFFFFFC0];
	p3 =	slt.u32 s15, $0x3F8;
	v4 =	vshll.u32 v4, v1  }
0x93: {  	vm2 =	vlt.u32 v9, $0x6200;
	vm1 =	vlt.u32 v10, $0x6200;
	v6 =	vld [tilespmem:s10+$0xFFFFFFD0];
	v4 =	vbroadcast v4, $0x0  }
0x94: {  	v19 =	vor.u32 s23, v0;
	v20 =	vor.u32 s21, v0;
	v21 =	vor.u32 s6, v0;
	v7 =	vld [tilespmem:s10+$0xFFFFFFE0]  }
0x95: {  	v22 =	vor.u32 s3, v0;
	v23 =	vor.u32 s22, v0;
	v8 =	vld [tilespmem:s10+$0xFFFFFFF0];
	v4 =	vor.u32 v0, v4  }
0x96: {  	v24 =	vor.u32 s19, v0;
	v9 =	vld [tilespmem:s10+$0x0];
	v18 =	vadd.s32 $0xFFFF9E00, v18  }
0x97: {  	v25 =	vadd.s32 $0xFFFF9E00, v5;
	v10 =	vld [tilespmem:s10+$0x10];
	vm8 =	vgt.s32 v18, $0x0  }
0x98: {  	vm7 =	vgt.s32 v25, $0x0;
	v5 =	vadd.s32 $0xFFFF9E00, v6;
	v26 =	vld [tilespmem:s10+$0x20];
	v27 =	vnsel vm8, $0x0, v18  }
0x99: {  	vm9 =	vgt.s32 v5, $0x0;
	v6 =	vadd.s32 $0xFFFF9E00, v7;
	v27 =	vmin.u32 v27, $0x61FF;
	v17 =	vld.idx.msk [tilespmem:v17+s5+$0x0], $0xffff  }
0x9a: {  	vm8 =	vgt.s32 v6, $0x0;
	v7 =	vadd.s32 $0xFFFF9E00, v8;
	v28 =	vadd.s32 $0x6200, v27;
	v16 =	vld.idx.msk [tilespmem:v16+s5+$0x0], $0xffff  }
0x9b: {  	v27 =	vand.u32 $0x7F, v27;
	v8 =	vadd.s32 $0xFFFF9E00, v9;
	v28 =	vand.u32 $0xFF80, v28;
	v15 =	vld.idx.msk [tilespmem:v15+s5+$0x0], $0xffff  }
0x9c: {  	s28 =	sadd.s32 $0x80, s28;
	vm10 =	vgt.s32 v7, $0x0;
	v9 =	vadd.s32 $0xFFFF9E00, v10;
	v27 =	vor.u32 v27, v28;
	v14 =	vld.idx.msk [tilespmem:v14+s5+$0x0], $0xffff  }
0x9d: {  	s2 =	sadd.s32 $0xFFFFFF90, s28;
	s23 =	sadd.s32 $0xFFFFFFA0, s28;
	s21 =	sadd.s32 $0xFFFFFFB0, s28;
	vm11 =	vgt.s32 v8, $0x0;
	v10 =	vadd.s32 $0xFFFF9E00, v26;
	v26 =	vmov s28;
	v13 =	vld.idx.msk [tilespmem:v13+s5+$0x0], $0xffff  }
0x9e: {  	s6 =	sadd.s32 $0xFFFFFFC0, s28;
	s3 =	sadd.s32 $0xFFFFFFD0, s28;
	s22 =	sadd.s32 $0xFFFFFFE0, s28;
	vm12 =	vgt.s32 v9, $0x0;
	vm13 =	vgt.s32 v10, $0x0;
	v26 =	vshrl.u32 v26, $0x7;
	v12 =	vld.idx.msk [tilespmem:v12+s5+$0x0], $0xffff  }
0x9f: {  	s19 =	sadd.s32 $0xFFFFFFF0, s28;
	v29 =	vnsel vm9, $0x0, v5;
	v28 =	vnsel vm7, $0x0, v25;
	v26 =	vshll.u32 v26, v1;
	[tilespmem:v4+s17+$0x0] =	vst.idx.msk vm0, v17;
	v4 =	vld.idx.msk [tilespmem:v11+s5+$0x0], $0xffff  }
0xa0: {  	v11 =	vnsel vm8, $0x0, v6;
	v17 =	vnsel vm10, $0x0, v7;
	v26 =	vbroadcast v26, $0x0;
	[tilespmem:v19+s17+$0x0] =	vst.idx.msk vm6, v16  }
0xa1: {  	vm0 =	vlt.u32 v18, $0x6200;
	v16 =	vnsel vm11, $0x0, v8;
	v19 =	vnsel vm12, $0x0, v9;
	v27 =	vld.idx.msk [tilespmem:v27+s5+$0x0], $0xffff;
	[tilespmem:v20+s17+$0x0] =	vst.idx.msk vm4, v15  }
0xa2: {  	v18 =	vnsel vm13, $0x0, v10;
	v15 =	vmin.u32 v28, $0x61FF;
	v20 =	vor.u32 v2, v26;
	[tilespmem:v21+s17+$0x0] =	vst.idx.msk vm5, v14  }
0xa3: {  	v11 =	vmin.u32 v11, $0x61FF;
	v17 =	vmin.u32 v17, $0x61FF;
	v14 =	vmin.u32 v29, $0x61FF;
	[tilespmem:v22+s17+$0x0] =	vst.idx.msk vm3, v13  }
0xa4: {  	v18 =	vmin.u32 v18, $0x61FF;
	v13 =	vmin.u32 v16, $0x61FF;
	v16 =	vmin.u32 v19, $0x61FF;
	[tilespmem:v23+s17+$0x0] =	vst.idx.msk vm2, v12  }
0xa5: {  	v21 =	vadd.s32 $0x6200, v11;
	v19 =	vadd.s32 $0x6200, v14;
	v12 =	vadd.s32 $0x6200, v15;
	[tilespmem:v24+s17+$0x0] =	vst.idx.msk vm1, v4  }
0xa6: {  	v22 =	vadd.s32 $0x6200, v13;
	v23 =	vadd.s32 $0x6200, v16;
	v4 =	vadd.s32 $0x6200, v17  }
0xa7: {  	v19 =	vand.u32 $0xFF80, v19;
	v12 =	vand.u32 $0xFF80, v12;
	v24 =	vadd.s32 $0x6200, v18;
	[tilespmem:v20+s17+$0x0] =	vst.idx.msk vm0, v27  }
0xa8: {  	v4 =	vand.u32 $0xFF80, v4;
	v20 =	vand.u32 $0xFF80, v21;
	v21 =	vand.u32 $0xFF80, v22  }
0xa9: {  	v15 =	vand.u32 $0x7F, v15;
	v22 =	vand.u32 $0xFF80, v23;
	v23 =	vand.u32 $0xFF80, v24  }
.Ltmp1:
0xaa: {  	v11 =	vand.u32 $0x7F, v11;
	v14 =	vand.u32 $0x7F, v14;
	v24 =	vand.u32 $0x7F, v17;
	(pc) =	sbr.rel @p3 .LBB2_5-.Ltmp1, $4  }
0xab: {  	v13 =	vand.u32 $0x7F, v13;
	v26 =	vand.u32 $0x7F, v16;
	v18 =	vand.u32 $0x7F, v18  }
0xac: {  	v16 =	vor.u32 v14, v19;
	v17 =	vor.u32 v15, v12;
	v15 =	vor.u32 v11, v20  }
0xad: {  	v14 =	vor.u32 v24, v4;
	v13 =	vor.u32 v13, v21;
	v12 =	vor.u32 v26, v22  }
0xae: {  	s10 =	sadd.s32 $0x80, s10;
	vm0 =	vlt.u32 v25, $0x6200;
	v4 =	vmov s2;
	v11 =	vor.u32 v18, v23  }
0xaf: {  	_ = 	snop  }
0xb0: {  	v4 =	vshrl.u32 v4, $0x7  }
0xb1: {  	v4 =	vshll.u32 v4, v1  }
0xb2: {  	vm1 =	vlt.u32 v5, $0x6200;
	v4 =	vbroadcast v4, $0x0  }
0xb3: {  	vm2 =	vlt.u32 v6, $0x6200;
	v6 =	vor.u32 s23, v0;
	v16 =	vld.idx.msk [tilespmem:v16+s5+$0x0], $0xffff  }
0xb4: {  	v5 =	vld.idx.msk [tilespmem:v17+s5+$0x0], $0xffff;
	v4 =	vor.u32 v0, v4  }
0xb5: {  	vm3 =	vlt.u32 v7, $0x6200;
	v7 =	vor.u32 s21, v0;
	v15 =	vld.idx.msk [tilespmem:v15+s5+$0x0], $0xffff  }
0xb6: {  	vm4 =	vlt.u32 v8, $0x6200;
	v8 =	vor.u32 s6, v0;
	v14 =	vld.idx.msk [tilespmem:v14+s5+$0x0], $0xffff  }
0xb7: {  	vm5 =	vlt.u32 v9, $0x6200;
	v9 =	vor.u32 s3, v0;
	v13 =	vld.idx.msk [tilespmem:v13+s5+$0x0], $0xffff  }
0xb8: {  	vm6 =	vlt.u32 v10, $0x6200;
	v10 =	vor.u32 s22, v0;
	v12 =	vld.idx.msk [tilespmem:v12+s5+$0x0], $0xffff;
	[tilespmem:v6+s17+$0x0] =	vst.idx.msk vm1, v16  }
0xb9: {  	[tilespmem:v4+s17+$0x0] =	vst.idx.msk vm0, v5;
	v4 =	vor.u32 s19, v0;
	v5 =	vld.idx.msk [tilespmem:v11+s5+$0x0], $0xffff  }
0xba: {  	[tilespmem:v7+s17+$0x0] =	vst.idx.msk vm2, v15  }
0xbb: {  	s0 =	sshll.u32 s0, $0xB;
	[tilespmem:v8+s17+$0x0] =	vst.idx.msk vm3, v14;
	s19 =	sshll.u32 s13, $0xA  }
0xbc: {  	s2 =	sadd.s32 $0x92400, s16;
	[tilespmem:v9+s17+$0x0] =	vst.idx.msk vm4, v13;
	s0 =	sor.u32 s0, s19  }
0xbd: {  	s16 =	simm.s32 $0x6200;
	s2 =	sshrl.u32 s2, $0x3;
	[tilespmem:v10+s17+$0x0] =	vst.idx.msk vm5, v12;
	s0 =	sor.u32 s8, s0  }
0xbe: {  	s21 =	rddreg [dreg:$0x1];
	s2 =	sadd.s32 s7, s2;
	s0 =	sshrl.u32 s0, $0x3;
	[tilespmem:v4+s17+$0x0] =	vst.idx.msk vm6, v5  }
0xbf: {  	[tilespmem:s16], [sflag:$0x2] =	stream.strided.gather [hbm4b:s2+s14], $0x6200, s18, s14, $0x38;
	[tilespmem:$0x1C480] =	vst v63  }
0xc0: {  	s22 =	simm.s32 $0xC400;
	s29 =	simm.s32 $0x1;
	s0 =	sadd.s32 s21, s0  }
0xc1: {  	[tilespmem:s22], [sflag:$0x3] =	stream.linear.gather [hbm4b:s0+s5], $0x80, $0x38;
	[tilespmem:$0x1C480] =	vst v63  }
0xc2: {  	_ =	swait.ge [sflag:s29], $0x6200  }
0xc3: {  	[sflag:s29] =	ssyncset.done $0x0  }
0xc4: {  	[sflag:s29] =	ssyncadd.s32 $0xFFFF9E00  }
0xc5: {  	v4 =	vld [tilespmem:s1+$0x30]  }
0xc6: {  	v5 =	vld [tilespmem:s1+$0xFFFFFFC0]  }
0xc7: {  	v6 =	vld [tilespmem:s1+$0xFFFFFFD0]  }
0xc8: {  	v7 =	vld [tilespmem:s1+$0xFFFFFFE0]  }
0xc9: {  	v8 =	vld [tilespmem:s1+$0xFFFFFFF0]  }
0xca: {  	v9 =	vld [tilespmem:s1+$0x0]  }
0xcb: {  	v10 =	vld [tilespmem:s1+$0x10]  }
0xcc: {  	s0 =	sadd.s32 $0x80, s1;
	v11 =	vld [tilespmem:s1+$0x20]  }
0xcd: {  	v20 =	vld [tilespmem:s0+$0x30]  }
0xce: {  	s13 =	sadd.s32 $0xFFFFFFC0, s20;
	s8 =	sadd.s32 $0xFFFFFFB0, s20;
	s21 =	sadd.s32 $0xFFFFFFD0, s20  }
0xcf: {  	v25 =	vor.u32 s13, v0;
	v23 =	vor.u32 s8, v0;
	v26 =	vor.u32 s21, v0  }
0xd0: {  	v4 =	vadd.s32 $0xFFFF3C00, v4;
	v5 =	vadd.s32 $0xFFFF3C00, v5;
	v6 =	vadd.s32 $0xFFFF3C00, v6  }
0xd1: {  	v7 =	vadd.s32 $0xFFFF3C00, v7;
	v8 =	vadd.s32 $0xFFFF3C00, v8;
	v9 =	vadd.s32 $0xFFFF3C00, v9  }
0xd2: {  	v10 =	vadd.s32 $0xFFFF3C00, v10;
	v11 =	vadd.s32 $0xFFFF3C00, v11;
	v20 =	vadd.s32 $0xFFFF3C00, v20  }
0xd3: {  	vm0 =	vgt.s32 v4, $0x0;
	vm1 =	vgt.s32 v5, $0x0;
	vm2 =	vgt.s32 v7, $0x0  }
0xd4: {  	vm3 =	vgt.s32 v8, $0x0;
	vm5 =	vgt.s32 v9, $0x0;
	vm6 =	vgt.s32 v10, $0x0  }
0xd5: {  	vm4 =	vlt.u32 v4, $0x6200;
	vm8 =	vlt.u32 v5, $0x6200;
	vm7 =	vgt.s32 v20, $0x0  }
0xd6: {  	v12 =	vnsel vm0, $0x0, v4;
	vm0 =	vgt.s32 v6, $0x0;
	v13 =	vnsel vm1, $0x0, v5  }
0xd7: {  	vm1 =	vgt.s32 v11, $0x0;
	v14 =	vnsel vm2, $0x0, v7;
	v15 =	vnsel vm3, $0x0, v8  }
0xd8: {  	v16 =	vnsel vm5, $0x0, v9;
	v17 =	vnsel vm6, $0x0, v10;
	vm6 =	vlt.u32 v6, $0x6200  }
0xd9: {  	vm5 =	vlt.u32 v7, $0x6200;
	vm3 =	vlt.u32 v8, $0x6200;
	vm2 =	vlt.u32 v9, $0x6200  }
0xda: {  	v28 =	vnsel vm7, $0x0, v20;
	vm7 =	vlt.u32 v20, $0x6200;
	v12 =	vmin.u32 v12, $0x61FF  }
0xdb: {  	v8 =	vld [tilespmem:s0+$0xFFFFFFD0];
	v4 =	vnsel vm0, $0x0, v6;
	v13 =	vmin.u32 v13, $0x61FF;
	v14 =	vmin.u32 v14, $0x61FF  }
0xdc: {  	s10 =	sadd.s32 $0xFFFFFFA0, s20;
	v9 =	vld [tilespmem:s0+$0xFFFFFFE0];
	v19 =	vmin.u32 v15, $0x61FF;
	v16 =	vmin.u32 v16, $0x61FF;
	v15 =	vmov s9  }
0xdd: {  	v21 =	vld [tilespmem:s0+$0x0];
	v17 =	vmin.u32 v17, $0x61FF;
	vm0 =	vlt.u32 v10, $0x6200;
	v10 =	vor.u32 s10, v0  }
0xde: {  	v18 =	vmin.u32 v4, $0x61FF;
	v4 =	vnsel vm1, $0x0, v11;
	vm1 =	vlt.u32 v11, $0x6200;
	v11 =	vld [tilespmem:s0+$0xFFFFFFF0]  }
0xdf: {  	s9 =	sadd.s32 $0xFFFFFFE0, s20;
	v28 =	vmin.u32 v28, $0x61FF;
	v24 =	vmin.u32 v4, $0x61FF;
	v4 =	vshrl.u32 v15, $0x7;
	v15 =	vld [tilespmem:s0+$0xFFFFFFC0]  }
0xe0: {  	v27 =	vld [tilespmem:s0+$0x20];
	v6 =	vor.u32 s9, v0;
	v4 =	vshll.u32 v4, v1;
	v8 =	vadd.s32 $0xFFFF3C00, v8  }
0xe1: {  	s3 =	sadd.s32 $0x80, s20;
	v5 =	vbroadcast v4, $0x0;
	v9 =	vadd.s32 $0xFFFF3C00, v9;
	v29 =	vld.idx.msk [tilespmem:v12+s5+$0x0], $0xffff;
	vm10 =	vgt.s32 v8, $0x0  }
0xe2: {  	s22 =	sadd.s32 $0xFFFFFFF0, s20;
	v30 =	vld.idx.msk [tilespmem:v13+s5+$0x0], $0xffff;
	vm11 =	vgt.s32 v9, $0x0;
	v13 =	vmov s3;
	v12 =	vadd.s32 $0xFFFF3C00, v21  }
0xe3: {  	v14 =	vld.idx.msk [tilespmem:v14+s5+$0x0], $0xffff;
	v22 =	vor.u32 v0, v5;
	v5 =	vor.u32 s22, v0;
	v11 =	vadd.s32 $0xFFFF3C00, v11  }
0xe4: {  	v13 =	vshrl.u32 v13, $0x7;
	vm13 =	vgt.s32 v12, $0x0;
	v7 =	vadd.s32 $0xFFFF3C00, v15;
	v15 =	vld [tilespmem:s0+$0x10]  }
0xe5: {  	v31 =	vld.idx.msk [tilespmem:v19+s5+$0x0], $0xffff;
	v62 =	vnsel vm10, $0x0, v8;
	v32 =	vnsel vm11, $0x0, v9;
	v21 =	vshll.u32 v13, v1  }
0xe6: {  	v18 =	vld.idx.msk [tilespmem:v18+s5+$0x0], $0xffff;
	vm12 =	vgt.s32 v11, $0x0;
	v13 =	vadd.s32 $0xFFFF3C00, v27;
	v19 =	vbroadcast v21, $0x0  }
0xe7: {  	v27 =	vld.idx.msk [tilespmem:v16+s5+$0x0], $0xffff;
	v33 =	vnsel vm13, $0x0, v12;
	vm9 =	vgt.s32 v7, $0x0;
	v63 =	vnsel vm12, $0x0, v11;
	[tilespmem:v3+s17+$0x0] =	vst.idx.msk vm4, v29  }
0xe8: {  	v16 =	vnsel vm9, $0x0, v7;
	vm4 =	vgt.s32 v13, $0x0;
	v21 =	vor.u32 v2, v19;
	[tilespmem:v22+s17+$0x0] =	vst.idx.msk vm8, v30;
	v22 =	vld.idx.msk [tilespmem:v28+s5+$0x0], $0xffff  }
0xe9: {  	v20 =	vmin.u32 v16, $0x61FF;
	v19 =	vmin.u32 v62, $0x61FF;
	[tilespmem:v23+s17+$0x0] =	vst.idx.msk vm5, v14;
	v23 =	vld.idx.msk [tilespmem:v17+s5+$0x0], $0xffff;
	v15 =	vadd.s32 $0xFFFF3C00, v15  }
0xea: {  	s6 =	simm.s32 $0x8;
	s23 =	sadd.s32 $0xFFFFFF90, s3;
	s28 =	sadd.s32 $0xFFFFFFA0, s3;
	v24 =	vld.idx.msk [tilespmem:v24+s5+$0x0], $0xffff;
	v17 =	vmin.u32 v63, $0x61FF;
	v16 =	vmin.u32 v33, $0x61FF;
	[tilespmem:v25+s17+$0x0] =	vst.idx.msk vm3, v31;
	vm14 =	vgt.s32 v15, $0x0  }
0xeb: {  	s12 =	sadd.s32 $0xFFFFFFB0, s3;
	s11 =	sadd.s32 $0xFFFFFFC0, s3;
	s15 =	sadd.s32 $0xFFFFFFE0, s3;
	v25 =	vmov s23;
	[tilespmem:v10+s17+$0x0] =	vst.idx.msk vm6, v18;
	v10 =	vnsel vm4, $0x0, v13;
	v34 =	vnsel vm14, $0x0, v15  }
0xec: {  	s19 =	sadd.s32 $0xFFFFFFF0, s3;
	s16 =	sadd.s32 $0xFFFFFFD0, s3;
	s23 =	sadd.s32 $0x80, s0;
	v18 =	vmin.u32 v32, $0x61FF;
	v10 =	vmin.u32 v10, $0x61FF;
	[tilespmem:v26+s17+$0x0] =	vst.idx.msk vm2, v27;
	v14 =	vmin.u32 v34, $0x61FF  }
.LBB2_7:
0xed: {  	v26 =	vld [tilespmem:s23+$0x30];
	s6 =	sadd.s32 $0x8, s6;
	vm6 =	vlt.u32 v7, $0x6200;
	v7 =	vshrl.u32 v25, $0x7;
	vm4 =	vlt.u32 v8, $0x6200;
	[tilespmem:v21+s17+$0x0] =	vst.idx.msk vm7, v22  }
0xee: {  	vm5 =	vlt.u32 v9, $0x6200;
	vm3 =	vlt.u32 v11, $0x6200;
	v8 =	vld [tilespmem:s23+$0xFFFFFFC0];
	p3 =	slt.u32 s6, $0x3F8;
	v7 =	vshll.u32 v7, v1;
	[tilespmem:v6+s17+$0x0] =	vst.idx.msk vm0, v23  }
0xef: {  	vm2 =	vlt.u32 v12, $0x6200;
	vm0 =	vlt.u32 v15, $0x6200;
	v9 =	vld [tilespmem:s23+$0xFFFFFFD0];
	v6 =	vbroadcast v7, $0x0;
	[tilespmem:v5+s17+$0x0] =	vst.idx.msk vm1, v24  }
0xf0: {  	v25 =	vor.u32 s12, v0;
	v24 =	vor.u32 s28, v0;
	vm1 =	vlt.u32 v13, $0x6200;
	v11 =	vld [tilespmem:s23+$0xFFFFFFE0]  }
0xf1: {  	v27 =	vor.u32 s11, v0;
	v28 =	vor.u32 s16, v0;
	v12 =	vld [tilespmem:s23+$0xFFFFFFF0];
	v23 =	vor.u32 v0, v6  }
0xf2: {  	v5 =	vor.u32 s19, v0;
	v6 =	vor.u32 s15, v0;
	v13 =	vld [tilespmem:s23+$0x0];
	v21 =	vadd.s32 $0xFFFF3C00, v26  }
0xf3: {  	v7 =	vadd.s32 $0xFFFF3C00, v8;
	v15 =	vld [tilespmem:s23+$0x10];
	vm8 =	vgt.s32 v21, $0x0  }
0xf4: {  	vm7 =	vgt.s32 v7, $0x0;
	v8 =	vadd.s32 $0xFFFF3C00, v9;
	v22 =	vld [tilespmem:s23+$0x20];
	v26 =	vnsel vm8, $0x0, v21  }
0xf5: {  	s3 =	sadd.s32 $0x80, s3;
	vm8 =	vgt.s32 v8, $0x0;
	v9 =	vadd.s32 $0xFFFF3C00, v11;
	v26 =	vmin.u32 v26, $0x61FF;
	v20 =	vld.idx.msk [tilespmem:v20+s5+$0x0], $0xffff  }
0xf6: {  	s2 =	sadd.s32 $0xFFFFFF90, s3;
	s12 =	sadd.s32 $0xFFFFFFB0, s3;
	v29 =	vmov s3;
	s28 =	sadd.s32 $0xFFFFFFA0, s3;
	vm9 =	vgt.s32 v9, $0x0;
	v11 =	vadd.s32 $0xFFFF3C00, v12;
	v19 =	vld.idx.msk [tilespmem:v19+s5+$0x0], $0xffff  }
0xf7: {  	s11 =	sadd.s32 $0xFFFFFFC0, s3;
	s16 =	sadd.s32 $0xFFFFFFD0, s3;
	s15 =	sadd.s32 $0xFFFFFFE0, s3;
	vm10 =	vgt.s32 v11, $0x0;
	v12 =	vadd.s32 $0xFFFF3C00, v13;
	v13 =	vshrl.u32 v29, $0x7;
	v18 =	vld.idx.msk [tilespmem:v18+s5+$0x0], $0xffff  }
0xf8: {  	s19 =	sadd.s32 $0xFFFFFFF0, s3;
	vm11 =	vgt.s32 v12, $0x0;
	v15 =	vadd.s32 $0xFFFF3C00, v15;
	v29 =	vshll.u32 v13, v1;
	v30 =	vld.idx.msk [tilespmem:v17+s5+$0x0], $0xffff  }
0xf9: {  	vm12 =	vgt.s32 v15, $0x0;
	v13 =	vadd.s32 $0xFFFF3C00, v22;
	v17 =	vbroadcast v29, $0x0;
	v29 =	vld.idx.msk [tilespmem:v16+s5+$0x0], $0xffff  }
0xfa: {  	v16 =	vnsel vm7, $0x0, v7;
	vm7 =	vlt.u32 v21, $0x6200;
	vm13 =	vgt.s32 v13, $0x0;
	v22 =	vld.idx.msk [tilespmem:v26+s5+$0x0], $0xffff  }
.Ltmp2:
0xfb: {  	v31 =	vnsel vm9, $0x0, v9;
	v26 =	vnsel vm8, $0x0, v8;
	v21 =	vor.u32 v2, v17;
	[tilespmem:v23+s17+$0x0] =	vst.idx.msk vm6, v20;
	v23 =	vld.idx.msk [tilespmem:v14+s5+$0x0], $0xffff;
	(pc) =	sbr.rel @p3 .LBB2_7-.Ltmp2, $4  }
0xfc: {  	v32 =	vnsel vm11, $0x0, v12;
	v33 =	vnsel vm12, $0x0, v15;
	v14 =	vnsel vm10, $0x0, v11;
	[tilespmem:v24+s17+$0x0] =	vst.idx.msk vm4, v19;
	v24 =	vld.idx.msk [tilespmem:v10+s5+$0x0], $0xffff  }
0xfd: {  	v20 =	vmin.u32 v16, $0x61FF;
	v19 =	vmin.u32 v26, $0x61FF;
	v10 =	vnsel vm13, $0x0, v13;
	[tilespmem:v25+s17+$0x0] =	vst.idx.msk vm5, v18  }
0xfe: {  	v16 =	vmin.u32 v32, $0x61FF;
	v17 =	vmin.u32 v14, $0x61FF;
	v18 =	vmin.u32 v31, $0x61FF;
	[tilespmem:v27+s17+$0x0] =	vst.idx.msk vm3, v30  }
0xff: {  	s23 =	sadd.s32 $0x80, s23;
	v14 =	vmin.u32 v33, $0x61FF;
	v25 =	vmov s2;
	v10 =	vmin.u32 v10, $0x61FF;
	[tilespmem:v28+s17+$0x0] =	vst.idx.msk vm2, v29  }
0x100: {  	_ = 	snop  }
0x101: {  	v25 =	vshrl.u32 v25, $0x7  }
0x102: {  	v25 =	vshll.u32 v25, v1  }
0x103: {  	vm3 =	vlt.u32 v8, $0x6200;
	v25 =	vbroadcast v25, $0x0  }
0x104: {  	vm2 =	vlt.u32 v7, $0x6200;
	vm4 =	vlt.u32 v9, $0x6200;
	v9 =	vor.u32 s28, v0;
	v19 =	vld.idx.msk [tilespmem:v19+s5+$0x0], $0xffff  }
0x105: {  	v8 =	vld.idx.msk [tilespmem:v20+s5+$0x0], $0xffff;
	v7 =	vor.u32 v0, v25  }
0x106: {  	[tilespmem:v21+s17+$0x0] =	vst.idx.msk vm7, v22;
	vm5 =	vlt.u32 v11, $0x6200;
	v11 =	vor.u32 s12, v0;
	v18 =	vld.idx.msk [tilespmem:v18+s5+$0x0], $0xffff  }
0x107: {  	[tilespmem:v6+s17+$0x0] =	vst.idx.msk vm0, v23  }
0x108: {  	vm12 =	vlt.u32 v12, $0x6200;
	v6 =	vor.u32 s11, v0;
	v12 =	vld.idx.msk [tilespmem:v17+s5+$0x0], $0xffff;
	[tilespmem:v5+s17+$0x0] =	vst.idx.msk vm1, v24  }
0x109: {  	vm6 =	vlt.u32 v15, $0x6200;
	v15 =	vld.idx.msk [tilespmem:v16+s5+$0x0], $0xffff;
	s2 =	sshrl.u32 @!p2 s31, $0x4;
	s3 =	sshll.u32 @!p2 s31, $0x1C;
	v5 =	vor.u32 s16, v0;
	[tilespmem:v9+s17+$0x0] =	vst.idx.msk vm3, v19  }
0x10a: {  	vm13 =	vlt.u32 v13, $0x6200;
	v13 =	vor.u32 s15, v0;
	s2 =	smul.u32 @!p2 $0x187000, s2;
	s3 =	sshra.s32 @!p2 s3, $0x1F;
	[tilespmem:v7+s17+$0x0] =	vst.idx.msk vm2, v8;
	v7 =	vld.idx.msk [tilespmem:v14+s5+$0x0], $0xffff  }
0x10b: {  	s3 =	sand.u32 @!p2 $0xC3800, s3;
	v9 =	vld.idx.msk [tilespmem:v10+s5+$0x0], $0xffff;
	[tilespmem:v11+s17+$0x0] =	vst.idx.msk vm4, v18;
	v8 =	vor.u32 s19, v0  }
0x10c: {  	s2 =	sadd.s32 @!p2 s2, s3;
	s3 =	rddreg [dreg:$0xc]  }
0x10d: {  	[tilespmem:v6+s17+$0x0] =	vst.idx.msk vm5, v12;
	s3 =	sand.u32 @!p2 $0x380, s3  }
0x10e: {  	[tilespmem:v5+s17+$0x0] =	vst.idx.msk vm12, v15;
	s2 =	sor.u32 @!p2 s3, s2  }
0x10f: {  	s4 =	simm.s32 @!p2 $0x400;
	s2 =	sshrl.u32 @!p2 s2, $0x3;
	[tilespmem:v13+s17+$0x0] =	vst.idx.msk vm6, v7  }
0x110: {  	s6 =	simm.s32 @!p2 $0x0;
	s3 =	simm.s32 @!p2 $0x80;
	s2 =	sadd.s32 @!p2 s7, s2;
	[tilespmem:v8+s17+$0x0] =	vst.idx.msk vm13, v9  }
0x111: {  	[tilespmem:s6], [sflag:$0x1] =	stream.strided.gather @!p2 [hbm4b:s2+s3], $0x6200, s4, s3, $0x38;
	[tilespmem:$0x1C480] =	vst v63  }
0x112: {  	_ =	swait.ge [sflag:s30], $0x6200  }
0x113: {  	[sflag:s30] =	ssyncset.done $0x0  }
0x114: {  	s31 =	simm.s32 $0x3;
	[sflag:s30] =	ssyncadd.s32 $0xFFFF9E00  }
0x115: {  	_ =	swait.ge [sflag:s31], $0x80  }
0x116: {  	[sflag:s31] =	ssyncset.done $0x0  }
0x117: {  	[sflag:s31] =	ssyncadd.s32 $0xFFFFFF80  }
0x118: {  	v8 =	vld [tilespmem:s1+$0x30]  }
0x119: {  	v6 =	vld [tilespmem:s1+$0xFFFFFFC0]  }
0x11a: {  	v9 =	vld [tilespmem:s1+$0xFFFFFFD0]  }
0x11b: {  	v17 =	vld [tilespmem:s1+$0xFFFFFFE0]  }
0x11c: {  	v19 =	vld [tilespmem:s1+$0xFFFFFFF0]  }
0x11d: {  	v20 =	vld [tilespmem:s1+$0x0]  }
0x11e: {  	v5 =	vld [tilespmem:s1+$0x10];
	_ =	sdelay $0x2  }
0x11f: {  	v10 =	vadd.s32 $0xFFFEDB80, v8;
	v11 =	vadd.s32 $0xFFFEDB80, v6  }
0x120: {  	v7 =	vadd.s32 $0xFFFEDA00, v6;
	v12 =	vadd.s32 $0xFFFEDB80, v9;
	v13 =	vadd.s32 $0xFFFEDB80, v17  }
0x121: {  	v14 =	vadd.s32 $0xFFFEDB80, v19;
	v16 =	vadd.s32 $0xFFFEDB80, v20;
	v18 =	vadd.s32 $0xFFFEDB80, v5  }
0x122: {  	v8 =	vadd.s32 $0xFFFEDA00, v8;
	vm14 =	vgt.s32 v10, $0x0;
	vm15 =	vgt.s32 v11, $0x0  }
0x123: {  	vm9 =	vgt.s32 v12, $0x0;
	vm10 =	vgt.s32 v13, $0x0;
	vm11 =	vgt.s32 v14, $0x0  }
0x124: {  	vm12 =	vgt.s32 v16, $0x0;
	vm13 =	vgt.s32 v18, $0x0;
	v10 =	vnsel vm14, $0x0, v10  }
0x125: {  	v11 =	vnsel vm15, $0x0, v11;
	v12 =	vnsel vm9, $0x0, v12;
	v13 =	vnsel vm10, $0x0, v13  }
0x126: {  	v14 =	vnsel vm11, $0x0, v14;
	v16 =	vnsel vm12, $0x0, v16;
	vm15 =	vlt.u32 v8, $0x60A0  }
0x127: {  	v6 =	vld [tilespmem:s1+$0x20];
	v8 =	vnsel vm13, $0x0, v18;
	v10 =	vmin.u32 v10, $0x621F;
	v11 =	vmin.u32 v11, $0x621F  }
0x128: {  	v12 =	vmin.u32 v12, $0x621F;
	v13 =	vmin.u32 v13, $0x621F;
	v14 =	vmin.u32 v14, $0x621F  }
0x129: {  	v16 =	vmin.u32 v16, $0x621F;
	v8 =	vmin.u32 v8, $0x621F;
	v15 =	vadd.s32 $0x6200, v10  }
0x12a: {  	v10 =	vand.u32 $0x7F, v10;
	v18 =	vadd.s32 $0x6200, v11;
	v59 =	vadd.s32 $0x6200, v12  }
0x12b: {  	v61 =	vadd.s32 $0x6200, v14;
	v62 =	vadd.s32 $0x6200, v16;
	v15 =	vand.u32 $0xFF80, v15  }
0x12c: {  	v63 =	vadd.s32 $0x6200, v8;
	v10 =	vor.u32 v10, v15;
	v15 =	vadd.s32 $0xFFFEDB80, v6  }
0x12d: {  	v29 =	vand.u32 $0x7F, v16;
	v8 =	vand.u32 $0x7F, v8;
	vm14 =	vgt.s32 v15, $0x0  }
0x12e: {  	v18 =	vand.u32 $0xFF80, v18;
	v21 =	vand.u32 $0xFF80, v59;
	v15 =	vnsel vm14, $0x0, v15  }
0x12f: {  	v23 =	vand.u32 $0xFF80, v61;
	v24 =	vand.u32 $0xFF80, v62;
	v60 =	vmin.u32 v15, $0x621F  }
0x130: {  	v25 =	vand.u32 $0xFF80, v63;
	v15 =	vadd.s32 $0x6200, v13;
	v26 =	vadd.s32 $0x6200, v60  }
0x131: {  	v27 =	vand.u32 $0xFF80, v15;
	v26 =	vand.u32 $0xFF80, v26;
	v28 =	vld.idx.msk [tilespmem:v10+s5+$0x0], $0xffff;
	v10 =	vand.u32 $0x7F, v11  }
0x132: {  	v11 =	vand.u32 $0x7F, v12;
	v12 =	vand.u32 $0x7F, v13;
	v13 =	vand.u32 $0x7F, v14  }
0x133: {  	v16 =	vor.u32 v10, v18;
	v15 =	vor.u32 v11, v21;
	v10 =	vand.u32 $0x7F, v60  }
0x134: {  	v14 =	vor.u32 v12, v27;
	v13 =	vor.u32 v13, v23;
	v12 =	vor.u32 v29, v24  }
0x135: {  	v11 =	vor.u32 v8, v25;
	v18 =	vadd.s32 $0xFFFEDA00, v9;
	v8 =	vadd.s32 $0xFFFEDA00, v20  }
0x136: {  	s1 =	simm.s32 $0x0;
	v10 =	vor.u32 v10, v26;
	[tilespmem:v3+s17+$0x0] =	vst.idx.msk vm15, v28;
	v3 =	vadd.s32 $0xFFFEDA00, v17;
	v17 =	vadd.s32 $0xFFFEDA00, v19  }
.LBB2_9:
0x137: {  	v19 =	vld [tilespmem:s0+$0x30];
	s1 =	sadd.s32 $0x8, s1;
	v9 =	vbroadcast v4, $0x0;
	v4 =	vadd.s32 $0xFFFEDA00, v5;
	v5 =	vadd.s32 $0xFFFEDA00, v6  }
0x138: {  	vm6 =	vlt.u32 v7, $0x60A0;
	vm5 =	vlt.u32 v18, $0x60A0;
	vm4 =	vlt.u32 v3, $0x60A0;
	v6 =	vld [tilespmem:s0+$0xFFFFFFC0];
	p2 =	slt.u32 s1, $0x3F8  }
0x139: {  	vm3 =	vlt.u32 v17, $0x60A0;
	vm2 =	vlt.u32 v8, $0x60A0;
	vm0 =	vlt.u32 v4, $0x60A0;
	v3 =	vld [tilespmem:s0+$0xFFFFFFD0]  }
0x13a: {  	v18 =	vor.u32 s10, v0;
	vm1 =	vlt.u32 v5, $0x60A0;
	v17 =	vor.u32 v0, v9;
	v4 =	vld [tilespmem:s0+$0xFFFFFFE0]  }
0x13b: {  	v20 =	vor.u32 s8, v0;
	v21 =	vor.u32 s13, v0;
	v22 =	vor.u32 s21, v0;
	v8 =	vld [tilespmem:s0+$0xFFFFFFF0]  }
0x13c: {  	v24 =	vor.u32 s9, v0;
	v25 =	vor.u32 s22, v0;
	v9 =	vld [tilespmem:s0+$0x0];
	v23 =	vadd.s32 $0xFFFEDB80, v19  }
0x13d: {  	v26 =	vadd.s32 $0xFFFEDB80, v6;
	v7 =	vadd.s32 $0xFFFEDA00, v6;
	v5 =	vld [tilespmem:s0+$0x10];
	vm8 =	vgt.s32 v23, $0x0  }
0x13e: {  	vm7 =	vgt.s32 v26, $0x0;
	v27 =	vadd.s32 $0xFFFEDB80, v3;
	v6 =	vld [tilespmem:s0+$0x20];
	v23 =	vnsel vm8, $0x0, v23  }
0x13f: {  	vm9 =	vgt.s32 v27, $0x0;
	v28 =	vadd.s32 $0xFFFEDB80, v4;
	v23 =	vmin.u32 v23, $0x621F;
	v16 =	vld.idx.msk [tilespmem:v16+s5+$0x0], $0xffff  }
0x140: {  	vm8 =	vgt.s32 v28, $0x0;
	v29 =	vadd.s32 $0xFFFEDB80, v8;
	v30 =	vadd.s32 $0x6200, v23;
	v15 =	vld.idx.msk [tilespmem:v15+s5+$0x0], $0xffff  }
0x141: {  	v23 =	vand.u32 $0x7F, v23;
	v31 =	vadd.s32 $0xFFFEDB80, v9;
	v30 =	vand.u32 $0xFF80, v30;
	v14 =	vld.idx.msk [tilespmem:v14+s5+$0x0], $0xffff  }
0x142: {  	s20 =	sadd.s32 $0x80, s20;
	vm10 =	vgt.s32 v29, $0x0;
	v32 =	vadd.s32 $0xFFFEDB80, v5;
	v23 =	vor.u32 v23, v30;
	v13 =	vld.idx.msk [tilespmem:v13+s5+$0x0], $0xffff  }
0x143: {  	s2 =	sadd.s32 $0xFFFFFF90, s20;
	s10 =	sadd.s32 $0xFFFFFFA0, s20;
	s8 =	sadd.s32 $0xFFFFFFB0, s20;
	v33 =	vmov s20;
	vm11 =	vgt.s32 v31, $0x0;
	v30 =	vadd.s32 $0xFFFEDB80, v6;
	v12 =	vld.idx.msk [tilespmem:v12+s5+$0x0], $0xffff  }
0x144: {  	s13 =	sadd.s32 $0xFFFFFFC0, s20;
	s21 =	sadd.s32 $0xFFFFFFD0, s20;
	s9 =	sadd.s32 $0xFFFFFFE0, s20;
	v33 =	vshrl.u32 v33, $0x7;
	vm12 =	vgt.s32 v32, $0x0;
	vm13 =	vgt.s32 v30, $0x0;
	v11 =	vld.idx.msk [tilespmem:v11+s5+$0x0], $0xffff  }
0x145: {  	s22 =	sadd.s32 $0xFFFFFFF0, s20;
	v33 =	vshll.u32 v33, v1;
	v26 =	vnsel vm7, $0x0, v26;
	v27 =	vnsel vm9, $0x0, v27;
	[tilespmem:v17+s17+$0x0] =	vst.idx.msk vm6, v16;
	v10 =	vld.idx.msk [tilespmem:v10+s5+$0x0], $0xffff  }
0x146: {  	v16 =	vnsel vm8, $0x0, v28;
	v17 =	vadd.s32 $0xFFFEDA00, v19;
	v19 =	vbroadcast v33, $0x0;
	[tilespmem:v18+s17+$0x0] =	vst.idx.msk vm5, v15  }
0x147: {  	v15 =	vnsel vm10, $0x0, v29;
	v18 =	vnsel vm11, $0x0, v31;
	vm5 =	vlt.u32 v17, $0x60A0;
	v23 =	vld.idx.msk [tilespmem:v23+s5+$0x0], $0xffff;
	[tilespmem:v20+s17+$0x0] =	vst.idx.msk vm4, v14  }
0x148: {  	v17 =	vnsel vm13, $0x0, v30;
	v14 =	vnsel vm12, $0x0, v32;
	v19 =	vor.u32 v2, v19;
	[tilespmem:v21+s17+$0x0] =	vst.idx.msk vm3, v13  }
0x149: {  	v16 =	vmin.u32 v16, $0x621F;
	v20 =	vmin.u32 v27, $0x621F;
	v13 =	vmin.u32 v26, $0x621F;
	[tilespmem:v22+s17+$0x0] =	vst.idx.msk vm2, v12  }
0x14a: {  	v14 =	vmin.u32 v14, $0x621F;
	v12 =	vmin.u32 v15, $0x621F;
	v15 =	vmin.u32 v18, $0x621F;
	[tilespmem:v24+s17+$0x0] =	vst.idx.msk vm0, v11  }
0x14b: {  	v17 =	vmin.u32 v17, $0x621F;
	v18 =	vadd.s32 $0x6200, v20;
	v11 =	vadd.s32 $0x6200, v13;
	[tilespmem:v25+s17+$0x0] =	vst.idx.msk vm1, v10  }
0x14c: {  	v21 =	vadd.s32 $0x6200, v12;
	v22 =	vadd.s32 $0x6200, v15;
	v10 =	vadd.s32 $0x6200, v16  }
0x14d: {  	v24 =	vadd.s32 $0x6200, v14;
	v11 =	vand.u32 $0xFF80, v11;
	v25 =	vadd.s32 $0x6200, v17;
	[tilespmem:v19+s17+$0x0] =	vst.idx.msk vm5, v23  }
0x14e: {  	v18 =	vand.u32 $0xFF80, v18;
	v10 =	vand.u32 $0xFF80, v10;
	v19 =	vand.u32 $0xFF80, v21  }
0x14f: {  	v21 =	vand.u32 $0xFF80, v22;
	v22 =	vand.u32 $0xFF80, v24;
	v23 =	vand.u32 $0xFF80, v25  }
0x150: {  	v20 =	vand.u32 $0x7F, v20;
	v13 =	vand.u32 $0x7F, v13;
	v24 =	vand.u32 $0x7F, v16  }
0x151: {  	v26 =	vand.u32 $0x7F, v14;
	v12 =	vand.u32 $0x7F, v12;
	v25 =	vand.u32 $0x7F, v15  }
.Ltmp3:
0x152: {  	v17 =	vand.u32 $0x7F, v17;
	v16 =	vor.u32 v13, v11;
	v15 =	vor.u32 v20, v18;
	(pc) =	sbr.rel @p2 .LBB2_9-.Ltmp3, $4  }
0x153: {  	v14 =	vor.u32 v24, v10;
	v13 =	vor.u32 v12, v19;
	v12 =	vor.u32 v25, v21  }
0x154: {  	v18 =	vmov s2;
	v11 =	vor.u32 v26, v22;
	v10 =	vor.u32 v17, v23  }
0x155: {  	v17 =	vshrl.u32 v18, $0x7;
	v18 =	vadd.s32 $0xFFFEDA00, v3;
	v3 =	vadd.s32 $0xFFFEDA00, v4  }
0x156: {  	s0 =	sadd.s32 $0x80, s0;
	v4 =	vshll.u32 v17, v1;
	v17 =	vadd.s32 $0xFFFEDA00, v8;
	v8 =	vadd.s32 $0xFFFEDA00, v9  }
0x157: {  	_ =	sdelay $0x2  }
0x158: {  	vm1 =	vlt.u32 v18, $0x60A0  }
0x159: {  	vm2 =	vlt.u32 v3, $0x60A0;
	v3 =	vor.u32 s10, v0;
	v9 =	vld.idx.msk [tilespmem:v15+s5+$0x0], $0xffff  }
0x15a: {  	vm3 =	vlt.u32 v17, $0x60A0;
	v58 =	vor.u32 s8, v0;
	v14 =	vld.idx.msk [tilespmem:v14+s5+$0x0], $0xffff  }
0x15b: {  	v4 =	vbroadcast v4, $0x0;
	vm4 =	vlt.u32 v8, $0x60A0;
	v59 =	vor.u32 s13, v0;
	v13 =	vld.idx.msk [tilespmem:v13+s5+$0x0], $0xffff  }
0x15c: {  	vm0 =	vlt.u32 v7, $0x60A0;
	v5 =	vadd.s32 $0xFFFEDA00, v5;
	v60 =	vor.u32 s21, v0;
	v12 =	vld.idx.msk [tilespmem:v12+s5+$0x0], $0xffff  }
0x15d: {  	v57 =	vld.idx.msk [tilespmem:v16+s5+$0x0], $0xffff;
	v6 =	vadd.s32 $0xFFFEDA00, v6;
	vm5 =	vlt.u32 v5, $0x60A0;
	v4 =	vor.u32 v0, v4  }
0x15e: {  	v61 =	vor.u32 s9, v0;
	v11 =	vld.idx.msk [tilespmem:v11+s5+$0x0], $0xffff;
	vm6 =	vlt.u32 v6, $0x60A0;
	[tilespmem:v3+s17+$0x0] =	vst.idx.msk vm1, v9  }
0x15f: {  	v62 =	vor.u32 s22, v0;
	v63 =	vld.idx.msk [tilespmem:v10+s5+$0x0], $0xffff;
	[tilespmem:v58+s17+$0x0] =	vst.idx.msk vm2, v14  }
0x160: {  	[tilespmem:v59+s17+$0x0] =	vst.idx.msk vm3, v13  }
0x161: {  	p2 =	sne.s32 s26, $0x0;
	[tilespmem:v60+s17+$0x0] =	vst.idx.msk vm4, v12  }
0x162: {  	s0 =	sshll.u32 @!p2 s25, $0x4;
	[tilespmem:v4+s17+$0x0] =	vst.idx.msk vm0, v57  }
0x163: {  	s1 =	sshll.u32 @!p2 s25, $0xB;
	s0 =	sand.u32 @!p2 $0x70, s0;
	s4 =	rddreg [dreg:$0x6];
	[tilespmem:v61+s17+$0x0] =	vst.idx.msk vm5, v11  }
0x164: {  	s1 =	sand.u32 @!p2 $0xFFFC000, s1;
	[tilespmem:v62+s17+$0x0] =	vst.idx.msk vm6, v63;
	s0 =	sadd.s32 @!p2 s4, s0  }
0x165: {  	s0 =	sadd.s32 @!p2 s1, s0;
	s1 =	rddreg [dreg:$0xb]  }
0x166: {  	s2 =	simm.s32 @!p2 $0x80;
	s3 =	simm.s32 @!p2 $0x400;
	s1 =	sadd.s32 @!p2 $0x14480, s1  }
0x167: {  	[hbm4b:s0+s2] =	stream.strided.scatter @!p2 [tilespmem:s1], [sflag:$0x5], $0x4000, s3, s2, $0x38;
	[tilespmem:$0x1C480] =	vst v63  }
0x168: {  	s0 =	sshll.u32 @p1 s25, $0x4  }
0x169: {  	s1 =	sshll.u32 @p1 s25, $0xB;
	s0 =	sand.u32 @p1 $0x70, s0  }
0x16a: {  	s2 =	simm.s32 @p1 $0x400;
	s1 =	sand.u32 @p1 $0xFFFC000, s1;
	s0 =	sadd.s32 @p1 s4, s0  }
0x16b: {  	s3 =	simm.s32 @p1 $0x18480;
	s0 =	sadd.s32 @p1 s1, s0;
	s1 =	simm.s32 @p1 $0x80  }
0x16c: {  	[hbm4b:s0+s1] =	stream.strided.scatter @p1 [tilespmem:s3], [sflag:$0x6], $0x4000, s2, s1, $0x38;
	[tilespmem:$0x1C480] =	vst v63  }
0x16d: {  	p1 =	sne.s32 s24, $0xD  }
.Ltmp4:
0x16e: {  	_ = 	snop;
	(pc) =	sbr.rel @p1 .LBB2_2-.Ltmp4, $2  }
0x16f: {  	_ =	sdelay $0x2  }
0x170: {  	p0 =	por !p0, !p0  }
0x171: {  	s0 =	simm.s32 $0x5  }
0x172: {  	_ =	swait.ge [sflag:s0], $0x4000  }
0x173: {  	[sflag:s0] =	ssyncset.done $0x0  }
0x174: {  	s1 =	simm.s32 $0x6;
	[sflag:s0] =	ssyncadd.s32 $0xFFFFC000  }
0x175: {  	_ =	swait.ge [sflag:s1], $0x4000  }
0x176: {  	s2 =	rddreg [dreg:$0xa]  }
0x177: {  	s31 =	rddreg [dreg:$0x9];
	s2 =	sadd.s32 $0x1, s2  }
0x178: {  	p0 =	sne.s32 s2, s31  }
.Ltmp5:
0x179: {  	_ = 	snop;
	(pc) =	sbr.rel @p0 .LBB2_1-.Ltmp5, $3  }
0x17a: {  	_ =	sdelay $0x1  }
0x17b: {  	[sflag:s1] =	ssyncset.done $0x0  }
0x17c: {  	[sflag:s1] =	ssyncadd.s32 $0xFFFFC000  }
0x17d: {  	_ =	sfence.sel $0x180000  }
0x17e: {  	[bflag:$0x0] =	sbarrier.arrive $0xFFFF  }
0x17f: {  	_ =	strace $0x90000047  }
0x180: {  	s0 =	stileid.u32;
	[bflag:$0x2] =	sbarrier.arrive $0xFFFF  }
0x181: {  	p0 =	sne.s32 s0, $0x0;
	s0 =	rddreg [dreg:$0x3]  }
0x182: {  	s0 =	sadd.s32 @!p0 $0x100000, s0  }
0x183: {  	[sflag:s0] =	ssyncadd.tile.s32 @!p0 $0x1;
	_ =	shalt  }
.Lfunc_end2:
_tile_overlayer_lowered:
.L_overlay_start_2:
0x184: {  	(tag) =	ssettag $0x2  }
0x185: {  	s0 =	rddreg [dreg:$0x0];
	s2 =	stileid.u32  }
0x186: {  	s1 =	rddreg [dreg:$0x1];
	p0 =	sne.s32 s2, $0x0  }
0x187: {  	s3 =	rddreg [dreg:$0x2];
	[bflag:$0x3] =	sbarrier.arrive $0xFFFF;
	s2 =	simm.s32 @!p0 $0x1C07  }
0x188: {  	[timem:s3], [sflag:s2] =	dma.local @!p0 [hbm:s0], s1  }
0x189: {  	s0 =	simm.s32 @!p0 $0x7  }
0x18a: {  	_ =	swait.ge @!p0 [sflag:s0], s1  }
0x18b: {  	s1 =	ssub.s32 @!p0 $0x0, s1;
	[sflag:s0] =	ssyncset.done @!p0 $0x0  }
0x18c: {  	[sflag:s0] =	ssyncadd.s32 @!p0 s1  }
0x18d: {  	[bflag:$0x3] =	sbarrier.arrive $0xFFFF  }
0x18e: {  	_ =	shalt  }

</sc_bundles>
